<compile_context>
chip_gen: v7x
topology: tpu7x:2x2x1
jax: 0.10.2.dev20260603
libtpu: 0.0.44.dev20260713+nightly
codegen_flags: <defaults>
</compile_context>

<pallas_src>
import functools

import jax
import jax.numpy as jnp
from jax import lax
from jax.experimental import pallas as pl
from jax.experimental.pallas import tpu as pltpu
from jax.experimental.pallas import tpu_sc as plsc

NC = 2
NS = 16
L = 16

CHUNK = 80
NBUF = 4


def _own_blocks(s, NBLK, ROUNDS, do_copies):
    def body(rnd, carry):
        blk = rnd * NS + s

        @pl.when(blk < NBLK)
        def _():
            do_copies(blk * CHUNK)
        return carry

    lax.fori_loop(0, ROUNDS, body, 0)


def _sc_segment_sum_count(N, E, D, x, src, dst):
    EPW = E // (NC * NS)
    NCHUNK = EPW // CHUNK
    NBLK = N // CHUNK
    ROUNDS = (NBLK + NS - 1) // NS

    mesh = plsc.VectorSubcoreMesh(core_axis_name="c", subcore_axis_name="s")

    @functools.partial(
        pl.kernel,
        out_type=(
            jax.ShapeDtypeStruct((NC, N, D), jnp.float32),
            jax.ShapeDtypeStruct((NC, N, D), jnp.float32),
        ),
        mesh=mesh,
        scratch_types=[
            [pltpu.VMEM((CHUNK,), jnp.int32)] * NBUF,
            [pltpu.VMEM((CHUNK,), jnp.int32)] * NBUF,
            [pltpu.VMEM((CHUNK, D), jnp.float32)] * NBUF,
            pltpu.VMEM_SHARED((N, D), jnp.float32),
            [pltpu.SemaphoreType.DMA] * NBUF,
        ],
    )
    def seg_sum_cnt(x_hbm, src_hbm, dst_hbm, psum_hbm, pcnt_hbm,
                    src_vs, dst_vs, rows_vs, acc_sh, sems):
        c = lax.axis_index("c")
        s = lax.axis_index("s")
        zeros16 = jnp.zeros((L,), jnp.float32)
        ones16 = jnp.ones((L,), jnp.float32)

        def zrow(r, carry):
            for j in range(D // L):
                rows_vs[0][r, pl.ds(j * L, L)] = zeros16
            return carry

        lax.fori_loop(0, CHUNK, zrow, 0)

        _own_blocks(s, NBLK, ROUNDS,
                    lambda r0: pltpu.sync_copy(rows_vs[0], acc_sh.at[pl.ds(r0, CHUNK)]))

        plsc.subcore_barrier()

        base = (c * NS + s) * EPW
        NGRP = NCHUNK // NBUF

        for b in range(NBUF):
            pltpu.sync_copy(src_hbm.at[pl.ds(base + b * CHUNK, CHUNK)], src_vs[b])
            pltpu.async_copy(x_hbm.at[src_vs[b]], rows_vs[b], sems[b])

        def grp_fn(g, carry):
            for b in range(NBUF):
                i = g * NBUF + b
                off = base + i * CHUNK
                pltpu.sync_copy(dst_hbm.at[pl.ds(off, CHUNK)], dst_vs[b])
                pltpu.make_async_copy(x_hbm.at[src_vs[b]], rows_vs[b], sems[b]).wait()
                pltpu.sync_copy(rows_vs[b], acc_sh.at[dst_vs[b]], add=True)

                @pl.when(i + NBUF < NCHUNK)
                def _():
                    offn = base + (i + NBUF) * CHUNK
                    pltpu.sync_copy(src_hbm.at[pl.ds(offn, CHUNK)], src_vs[b])
                    pltpu.async_copy(x_hbm.at[src_vs[b]], rows_vs[b], sems[b])
            return carry

        lax.fori_loop(0, NGRP, grp_fn, 0)

        for i in range(NGRP * NBUF, NCHUNK):
            b = i % NBUF
            off = base + i * CHUNK
            pltpu.sync_copy(dst_hbm.at[pl.ds(off, CHUNK)], dst_vs[b])
            pltpu.make_async_copy(x_hbm.at[src_vs[b]], rows_vs[b], sems[b]).wait()
            pltpu.sync_copy(rows_vs[b], acc_sh.at[dst_vs[b]], add=True)

        plsc.subcore_barrier()

        _own_blocks(s, NBLK, ROUNDS,
                    lambda r0: pltpu.sync_copy(acc_sh.at[pl.ds(r0, CHUNK)],
                                               psum_hbm.at[c, pl.ds(r0, CHUNK)]))

        plsc.subcore_barrier()

        def frow(r, carry):
            for j in range(D // L):
                rows_vs[0][r, pl.ds(j * L, L)] = zeros16
                rows_vs[1][r, pl.ds(j * L, L)] = ones16
            return carry

        lax.fori_loop(0, CHUNK, frow, 0)

        _own_blocks(s, NBLK, ROUNDS,
                    lambda r0: pltpu.sync_copy(rows_vs[0], acc_sh.at[pl.ds(r0, CHUNK)]))

        plsc.subcore_barrier()

        def cgrp_fn(g, carry):
            for b in range(NBUF):
                off = base + (g * NBUF + b) * CHUNK
                pltpu.sync_copy(dst_hbm.at[pl.ds(off, CHUNK)], dst_vs[b])
                pltpu.async_copy(rows_vs[1], acc_sh.at[dst_vs[b]], sems[b], add=True)
            for b in range(NBUF):
                pltpu.make_async_copy(rows_vs[1], acc_sh.at[dst_vs[b]], sems[b]).wait()
            return carry

        lax.fori_loop(0, NGRP, cgrp_fn, 0)

        for i in range(NGRP * NBUF, NCHUNK):
            off = base + i * CHUNK
            pltpu.sync_copy(dst_hbm.at[pl.ds(off, CHUNK)], dst_vs[0])
            pltpu.sync_copy(rows_vs[1], acc_sh.at[dst_vs[0]], add=True)

        plsc.subcore_barrier()

        _own_blocks(s, NBLK, ROUNDS,
                    lambda r0: pltpu.sync_copy(acc_sh.at[pl.ds(r0, CHUNK)],
                                               pcnt_hbm.at[c, pl.ds(r0, CHUNK)]))

    return seg_sum_cnt(x, src, dst)


def _tc_combine(N, D, H, BLK, p0, p1, c0, c1, x, W_l, W_r, b_l):
    def body(p0_ref, p1_ref, c0_ref, c1_ref, x_ref, wl_ref, wr_ref, b_ref, o_ref):
        ssum = p0_ref[...] + p1_ref[...]
        cnt = c0_ref[...] + c1_ref[...]
        denom = jnp.maximum(cnt[:, 0:1], 1.0)
        mean = ssum / denom
        o_ref[...] = (
            jnp.dot(mean, wl_ref[...], preferred_element_type=jnp.float32)
            + jnp.dot(x_ref[...], wr_ref[...], preferred_element_type=jnp.float32)
            + b_ref[...]
        )

    grid = (N // BLK,)
    return pl.pallas_call(
        body,
        grid=grid,
        in_specs=[
            pl.BlockSpec((BLK, D), lambda i: (i, 0)),
            pl.BlockSpec((BLK, D), lambda i: (i, 0)),
            pl.BlockSpec((BLK, D), lambda i: (i, 0)),
            pl.BlockSpec((BLK, D), lambda i: (i, 0)),
            pl.BlockSpec((BLK, D), lambda i: (i, 0)),
            pl.BlockSpec((D, H), lambda i: (0, 0)),
            pl.BlockSpec((D, H), lambda i: (0, 0)),
            pl.BlockSpec((1, H), lambda i: (0, 0)),
        ],
        out_specs=pl.BlockSpec((BLK, H), lambda i: (i, 0)),
        out_shape=jax.ShapeDtypeStruct((N, H), jnp.float32),
    )(p0, p1, c0, c1, x, W_l, W_r, b_l)


def kernel(x, edge_index, W_l, b_l, W_r):
    N, D = x.shape
    E = edge_index.shape[1]
    H = W_l.shape[1]

    src = edge_index[0]
    dst = edge_index[1]

    psum, pcnt = _sc_segment_sum_count(N, E, D, x, src, dst)
    out = _tc_combine(N, D, H, 1000, psum[0], psum[1], pcnt[0], pcnt[1],
                      x, W_l, W_r, b_l.reshape(1, H))
    return out

# --- scband reference (transcript-rebuilt; emitter-appended) ---
"""Pipeline reference for scband-indi-sage-pr-1623497638161 (READ-ONLY COPY).

The authoritative reference and input builder live on the scoring server;
editing this copy changes nothing except your own understanding.
"""

import jax, jax.numpy as jnp
import numpy as np

N = 10000
E = 320000
D = 128
H = 128


def setup_inputs(seed: int = 0) -> dict:
    key = jax.random.key(seed)
    k1, k2, k3, k4 = jax.random.split(key, 4)
    x = jax.random.normal(k1, (N, D), dtype=jnp.float32)
    edge_index = jax.random.randint(k2, (2, E), 0, N, dtype=jnp.int32)
    W_l = jax.random.normal(k3, (D, H), dtype=jnp.float32) * (1.0 / np.sqrt(D))
    b_l = jnp.zeros((H,), dtype=jnp.float32)
    W_r = jax.random.normal(k4, (D, H), dtype=jnp.float32) * (1.0 / np.sqrt(D))
    return {"x": x, "edge_index": edge_index, "W_l": W_l, "b_l": b_l, "W_r": W_r}


def reference(x, edge_index, W_l, b_l, W_r):
    # indi_SAGE_PR with num_layers=2 builds a single SAGEConv(in, hidden);
    # forward applies only convs[-1] (no relu/dropout on the final layer).
    # SAGEConv (PyG semantics): out = lin_l(mean_{j in N(i)} x_j) + lin_r(x_i)
    src = edge_index[0]
    dst = edge_index[1]
    msgs = jnp.take(x, src, axis=0)                       # gather  [E, D]
    summed = jax.ops.segment_sum(msgs, dst, num_segments=N)
    counts = jax.ops.segment_sum(jnp.ones((E,), dtype=x.dtype), dst, num_segments=N)
    mean = summed / jnp.clip(counts, 1.0)[:, None]
    out = mean @ W_l + b_l + x @ W_r
    return out

if __name__ == "__main__":
    import jax
    _d = setup_inputs()
    print(jax.jit(kernel)(*tuple(_d.values())))

</pallas_src>

<mosaic_0001>
#map = affine_map<(d0, d1) -> (0, 0)>
#map1 = affine_map<(d0, d1) -> (0)>
#map2 = affine_map<(d0, d1) -> (0, 0, 0)>
module attributes {stable_mosaic.version = 14 : i64} {
  func.func @seg_sum_cnt(%arg0: i32, %arg1: i32, %arg2: memref<10000x128xf32, #tpu.memory_space<hbm>>, %arg3: memref<320000xi32, #tpu.memory_space<hbm>>, %arg4: memref<320000xi32, #tpu.memory_space<hbm>>, %arg5: memref<2x10000x128xf32, #tpu.memory_space<hbm>>, %arg6: memref<2x10000x128xf32, #tpu.memory_space<hbm>>, %arg7: memref<80xi32, #tpu.memory_space<vmem>>, %arg8: memref<80xi32, #tpu.memory_space<vmem>>, %arg9: memref<80xi32, #tpu.memory_space<vmem>>, %arg10: memref<80xi32, #tpu.memory_space<vmem>>, %arg11: memref<80xi32, #tpu.memory_space<vmem>>, %arg12: memref<80xi32, #tpu.memory_space<vmem>>, %arg13: memref<80xi32, #tpu.memory_space<vmem>>, %arg14: memref<80xi32, #tpu.memory_space<vmem>>, %arg15: memref<80x128xf32, #tpu.memory_space<vmem>>, %arg16: memref<80x128xf32, #tpu.memory_space<vmem>>, %arg17: memref<80x128xf32, #tpu.memory_space<vmem>>, %arg18: memref<80x128xf32, #tpu.memory_space<vmem>>, %arg19: memref<10000x128xf32, #tpu.memory_space<vmem_shared>>, %arg20: memref<!tpu.dma_semaphore, #tpu.memory_space<semaphore_mem>>, %arg21: memref<!tpu.dma_semaphore, #tpu.memory_space<semaphore_mem>>, %arg22: memref<!tpu.dma_semaphore, #tpu.memory_space<semaphore_mem>>, %arg23: memref<!tpu.dma_semaphore, #tpu.memory_space<semaphore_mem>>) attributes {dimension_semantics = [#tpu.dimension_semantics<core_parallel>, #tpu.dimension_semantics<subcore_parallel>], iteration_bounds = array<i64: 2, 16>, scalar_prefetch = 0 : i64, scratch_operands = 17 : i64, tpu.core_type = #tpu.core_type<sc_vector_subcore>, window_params = [{transform_indices = #map}, {transform_indices = #map1}, {transform_indices = #map1}, {transform_indices = #map2}, {transform_indices = #map2}]} {
    %broadcast_in_dim3A = arith.constant 0.000000e+00 : f32
    %broadcast_in_dim3A_0 = vector.broadcast %broadcast_in_dim3A : f32 to vector<16xf32>
    %broadcast_in_dim3A_1 = arith.constant 1.000000e+00 : f32
    %broadcast_in_dim3A_2 = vector.broadcast %broadcast_in_dim3A_1 : f32 to vector<16xf32>
    %scan3A = arith.constant 0 : i32
    %scan3A_3 = arith.constant 0 : i32
    %scan3A_4 = arith.constant 80 : i32
    %scan3A_5 = arith.addi %scan3A_3, %scan3A_4 : i32
    %scan3A_6 = arith.constant 1 : i32
    scf.for %scan3A_82 = %scan3A_3 to %scan3A_5 step %scan3A_6  : i32 {
      %swap3A = arith.index_cast %scan3A_82 : i32 to index
      %swap3A_83 = arith.constant 0 : index
      %swap3A_84 = tpu.vector_load %arg15[%swap3A, %swap3A_83] {strides = array<i32>} : memref<80x128xf32, #tpu.memory_space<vmem>>, vector<1x16xf32>,
      %swap3A_85 = vector.shape_cast %swap3A_84 : vector<1x16xf32> to vector<16xf32>
      %swap3A_86 = vector.shape_cast %broadcast_in_dim3A_0 : vector<16xf32> to vector<1x16xf32>
      tpu.vector_store %arg15[%swap3A, %swap3A_83], %swap3A_86 {strides = array<i32>} : memref<80x128xf32, #tpu.memory_space<vmem>>, vector<1x16xf32>,
      %swap3A_87 = arith.index_cast %scan3A_82 : i32 to index
      %swap3A_88 = arith.constant 16 : index
      %swap3A_89 = tpu.vector_load %arg15[%swap3A_87, %swap3A_88] {strides = array<i32>} : memref<80x128xf32, #tpu.memory_space<vmem>>, vector<1x16xf32>,
      %swap3A_90 = vector.shape_cast %swap3A_89 : vector<1x16xf32> to vector<16xf32>
      %swap3A_91 = vector.shape_cast %broadcast_in_dim3A_0 : vector<16xf32> to vector<1x16xf32>
      tpu.vector_store %arg15[%swap3A_87, %swap3A_88], %swap3A_91 {strides = array<i32>} : memref<80x128xf32, #tpu.memory_space<vmem>>, vector<1x16xf32>,
      %swap3A_92 = arith.index_cast %scan3A_82 : i32 to index
      %swap3A_93 = arith.constant 32 : index
      %swap3A_94 = tpu.vector_load %arg15[%swap3A_92, %swap3A_93] {strides = array<i32>} : memref<80x128xf32, #tpu.memory_space<vmem>>, vector<1x16xf32>,
      %swap3A_95 = vector.shape_cast %swap3A_94 : vector<1x16xf32> to vector<16xf32>
      %swap3A_96 = vector.shape_cast %broadcast_in_dim3A_0 : vector<16xf32> to vector<1x16xf32>
      tpu.vector_store %arg15[%swap3A_92, %swap3A_93], %swap3A_96 {strides = array<i32>} : memref<80x128xf32, #tpu.memory_space<vmem>>, vector<1x16xf32>,
      %swap3A_97 = arith.index_cast %scan3A_82 : i32 to index
      %swap3A_98 = arith.constant 48 : index
      %swap3A_99 = tpu.vector_load %arg15[%swap3A_97, %swap3A_98] {strides = array<i32>} : memref<80x128xf32, #tpu.memory_space<vmem>>, vector<1x16xf32>,
      %swap3A_100 = vector.shape_cast %swap3A_99 : vector<1x16xf32> to vector<16xf32>
      %swap3A_101 = vector.shape_cast %broadcast_in_dim3A_0 : vector<16xf32> to vector<1x16xf32>
      tpu.vector_store %arg15[%swap3A_97, %swap3A_98], %swap3A_101 {strides = array<i32>} : memref<80x128xf32, #tpu.memory_space<vmem>>, vector<1x16xf32>,
      %swap3A_102 = arith.index_cast %scan3A_82 : i32 to index
      %swap3A_103 = arith.constant 64 : index
      %swap3A_104 = tpu.vector_load %arg15[%swap3A_102, %swap3A_103] {strides = array<i32>} : memref<80x128xf32, #tpu.memory_space<vmem>>, vector<1x16xf32>,
      %swap3A_105 = vector.shape_cast %swap3A_104 : vector<1x16xf32> to vector<16xf32>
      %swap3A_106 = vector.shape_cast %broadcast_in_dim3A_0 : vector<16xf32> to vector<1x16xf32>
      tpu.vector_store %arg15[%swap3A_102, %swap3A_103], %swap3A_106 {strides = array<i32>} : memref<80x128xf32, #tpu.memory_space<vmem>>, vector<1x16xf32>,
      %swap3A_107 = arith.index_cast %scan3A_82 : i32 to index
      %swap3A_108 = arith.constant 80 : index
      %swap3A_109 = tpu.vector_load %arg15[%swap3A_107, %swap3A_108] {strides = array<i32>} : memref<80x128xf32, #tpu.memory_space<vmem>>, vector<1x16xf32>,
      %swap3A_110 = vector.shape_cast %swap3A_109 : vector<1x16xf32> to vector<16xf32>
      %swap3A_111 = vector.shape_cast %broadcast_in_dim3A_0 : vector<16xf32> to vector<1x16xf32>
      tpu.vector_store %arg15[%swap3A_107, %swap3A_108], %swap3A_111 {strides = array<i32>} : memref<80x128xf32, #tpu.memory_space<vmem>>, vector<1x16xf32>,
      %swap3A_112 = arith.index_cast %scan3A_82 : i32 to index
      %swap3A_113 = arith.constant 96 : index
      %swap3A_114 = tpu.vector_load %arg15[%swap3A_112, %swap3A_113] {strides = array<i32>} : memref<80x128xf32, #tpu.memory_space<vmem>>, vector<1x16xf32>,
      %swap3A_115 = vector.shape_cast %swap3A_114 : vector<1x16xf32> to vector<16xf32>
      %swap3A_116 = vector.shape_cast %broadcast_in_dim3A_0 : vector<16xf32> to vector<1x16xf32>
      tpu.vector_store %arg15[%swap3A_112, %swap3A_113], %swap3A_116 {strides = array<i32>} : memref<80x128xf32, #tpu.memory_space<vmem>>, vector<1x16xf32>,
      %swap3A_117 = arith.index_cast %scan3A_82 : i32 to index
      %swap3A_118 = arith.constant 112 : index
      %swap3A_119 = tpu.vector_load %arg15[%swap3A_117, %swap3A_118] {strides = array<i32>} : memref<80x128xf32, #tpu.memory_space<vmem>>, vector<1x16xf32>,
      %swap3A_120 = vector.shape_cast %swap3A_119 : vector<1x16xf32> to vector<16xf32>
      %swap3A_121 = vector.shape_cast %broadcast_in_dim3A_0 : vector<16xf32> to vector<1x16xf32>
      tpu.vector_store %arg15[%swap3A_117, %swap3A_118], %swap3A_121 {strides = array<i32>} : memref<80x128xf32, #tpu.memory_space<vmem>>, vector<1x16xf32>,
    }
    %scan3A_7 = arith.constant 80 : i32
    %scan3A_8 = arith.constant 0 : i32
    %scan3A_9 = arith.constant 0 : i32
    %scan3A_10 = arith.constant 8 : i32
    %scan3A_11 = arith.addi %scan3A_9, %scan3A_10 : i32
    %scan3A_12 = arith.constant 1 : i32
    scf.for %scan3A_82 = %scan3A_9 to %scan3A_11 step %scan3A_12  : i32 {
      %mul3A_83 = arith.constant 16 : i32
      %mul3A_84 = arith.muli %scan3A_82, %mul3A_83 : i32
      %add3A_85 = arith.addi %mul3A_84, %arg1 : i32
      %lt3A = arith.constant 125 : i32
      %lt3A_86 = arith.cmpi slt, %add3A_85, %lt3A : i32
      %convert_element_type3A = arith.extui %lt3A_86 : i1 to i32
      %cond3A = arith.constant 0 : i32
      %cond3A_87 = arith.cmpi ne, %convert_element_type3A, %cond3A : i32
      scf.if %cond3A_87 {
        %mul3A_88 = arith.constant 80 : i32
        %mul3A_89 = arith.muli %add3A_85, %mul3A_88 : i32
        "tpu.region"() ({
          %run_scoped3A = tpu.sem_alloc : memref<!tpu.dma_semaphore, #tpu.memory_space<semaphore_mem>>
          %dma_start3A_90 = arith.constant 0 : i32
          %dma_start3A_91 = tpu.memref_slice %arg19[%mul3A_89, %dma_start3A_90] : memref<10000x128xf32, #tpu.memory_space<vmem_shared>> -> memref<80x128xf32, #tpu.memory_space<vmem_shared>>
          %dma_start3A_92 = arith.constant 0 : i32
          %dma_start3A_93 = tpu.memref_slice %arg19[%mul3A_89, %dma_start3A_92] : memref<10000x128xf32, #tpu.memory_space<vmem_shared>> -> memref<80x128xf32, #tpu.memory_space<vmem_shared>>
          tpu.enqueue_dma source(%arg15 : memref<80x128xf32, #tpu.memory_space<vmem>>) target(%dma_start3A_93 : memref<80x128xf32, #tpu.memory_space<vmem_shared>>) target_semaphore(%run_scoped3A : memref<!tpu.dma_semaphore, #tpu.memory_space<semaphore_mem>>)
          %dma_wait3A_94 = arith.constant 0 : i32
          %dma_wait3A_95 = tpu.memref_slice %arg19[%mul3A_89, %dma_wait3A_94] : memref<10000x128xf32, #tpu.memory_space<vmem_shared>> -> memref<80x128xf32, #tpu.memory_space<vmem_shared>>
          %dma_wait3A_96 = arith.constant 0 : i32
          %dma_wait3A_97 = tpu.memref_slice %arg19[%mul3A_89, %dma_wait3A_96] : memref<10000x128xf32, #tpu.memory_space<vmem_shared>> -> memref<80x128xf32, #tpu.memory_space<vmem_shared>>
          tpu.wait_dma2 semaphore(%run_scoped3A : memref<!tpu.dma_semaphore, #tpu.memory_space<semaphore_mem>>) src(%arg15 : memref<80x128xf32, #tpu.memory_space<vmem>>) dst(%dma_wait3A_97 : memref<80x128xf32, #tpu.memory_space<vmem_shared>>)
          tpu.yield
        }) : () -> ()
      } else {
      }
    }
    %scan3A_13 = arith.constant 8 : i32
    %barrier3A = arith.constant 0 : index
    tpu.barrier barrier_id(%barrier3A)
    %mul3A = arith.constant 16 : i32
    %mul3A_14 = arith.muli %arg0, %mul3A : i32
    %add3A = arith.addi %mul3A_14, %arg1 : i32
    %mul3A_15 = arith.constant 10000 : i32
    %mul3A_16 = arith.muli %add3A, %mul3A_15 : i32
    %add3A_17 = arith.constant 0 : i32
    %add3A_18 = arith.addi %mul3A_16, %add3A_17 : i32
    "tpu.region"() ({
      %run_scoped3A = tpu.sem_alloc : memref<!tpu.dma_semaphore, #tpu.memory_space<semaphore_mem>>
      %dma_start3A_82 = tpu.memref_slice %arg3[%add3A_18] : memref<320000xi32, #tpu.memory_space<hbm>> -> memref<80xi32, #tpu.memory_space<hbm>>
      %dma_start3A_83 = tpu.memref_slice %arg3[%add3A_18] : memref<320000xi32, #tpu.memory_space<hbm>> -> memref<80xi32, #tpu.memory_space<hbm>>
      tpu.enqueue_dma source(%dma_start3A_83 : memref<80xi32, #tpu.memory_space<hbm>>) target(%arg7 : memref<80xi32, #tpu.memory_space<vmem>>) target_semaphore(%run_scoped3A : memref<!tpu.dma_semaphore, #tpu.memory_space<semaphore_mem>>)
      %dma_wait3A_84 = tpu.memref_slice %arg3[%add3A_18] : memref<320000xi32, #tpu.memory_space<hbm>> -> memref<80xi32, #tpu.memory_space<hbm>>
      %dma_wait3A_85 = tpu.memref_slice %arg3[%add3A_18] : memref<320000xi32, #tpu.memory_space<hbm>> -> memref<80xi32, #tpu.memory_space<hbm>>
      tpu.wait_dma2 semaphore(%run_scoped3A : memref<!tpu.dma_semaphore, #tpu.memory_space<semaphore_mem>>) src(%dma_wait3A_85 : memref<80xi32, #tpu.memory_space<hbm>>) dst(%arg7 : memref<80xi32, #tpu.memory_space<vmem>>)
      tpu.yield
    }) : () -> ()
    %dma_start3A = arith.constant 0 : i32
    %dma_start3A_19 = arith.constant 0 : i32
    %dma_start3A_20 = tpu.memref_slice %arg2[%dma_start3A, %dma_start3A_19] : memref<10000x128xf32, #tpu.memory_space<hbm>> -> memref<10000x128xf32, #tpu.memory_space<hbm>>
    tpu.enqueue_indirect_dma source(%dma_start3A_20 : memref<10000x128xf32, #tpu.memory_space<hbm>>) target(%arg15 : memref<80x128xf32, #tpu.memory_space<vmem>>) offsets(%arg7 : memref<80xi32, #tpu.memory_space<vmem>>) semaphore(%arg20 : memref<!tpu.dma_semaphore, #tpu.memory_space<semaphore_mem>>)
    %add3A_21 = arith.constant 80 : i32
    %add3A_22 = arith.addi %mul3A_16, %add3A_21 : i32
    "tpu.region"() ({
      %run_scoped3A = tpu.sem_alloc : memref<!tpu.dma_semaphore, #tpu.memory_space<semaphore_mem>>
      %dma_start3A_82 = tpu.memref_slice %arg3[%add3A_22] : memref<320000xi32, #tpu.memory_space<hbm>> -> memref<80xi32, #tpu.memory_space<hbm>>
      %dma_start3A_83 = tpu.memref_slice %arg3[%add3A_22] : memref<320000xi32, #tpu.memory_space<hbm>> -> memref<80xi32, #tpu.memory_space<hbm>>
      tpu.enqueue_dma source(%dma_start3A_83 : memref<80xi32, #tpu.memory_space<hbm>>) target(%arg8 : memref<80xi32, #tpu.memory_space<vmem>>) target_semaphore(%run_scoped3A : memref<!tpu.dma_semaphore, #tpu.memory_space<semaphore_mem>>)
      %dma_wait3A_84 = tpu.memref_slice %arg3[%add3A_22] : memref<320000xi32, #tpu.memory_space<hbm>> -> memref<80xi32, #tpu.memory_space<hbm>>
      %dma_wait3A_85 = tpu.memref_slice %arg3[%add3A_22] : memref<320000xi32, #tpu.memory_space<hbm>> -> memref<80xi32, #tpu.memory_space<hbm>>
      tpu.wait_dma2 semaphore(%run_scoped3A : memref<!tpu.dma_semaphore, #tpu.memory_space<semaphore_mem>>) src(%dma_wait3A_85 : memref<80xi32, #tpu.memory_space<hbm>>) dst(%arg8 : memref<80xi32, #tpu.memory_space<vmem>>)
      tpu.yield
    }) : () -> ()
    %dma_start3A_23 = arith.constant 0 : i32
    %dma_start3A_24 = arith.constant 0 : i32
    %dma_start3A_25 = tpu.memref_slice %arg2[%dma_start3A_23, %dma_start3A_24] : memref<10000x128xf32, #tpu.memory_space<hbm>> -> memref<10000x128xf32, #tpu.memory_space<hbm>>
    tpu.enqueue_indirect_dma source(%dma_start3A_25 : memref<10000x128xf32, #tpu.memory_space<hbm>>) target(%arg16 : memref<80x128xf32, #tpu.memory_space<vmem>>) offsets(%arg8 : memref<80xi32, #tpu.memory_space<vmem>>) semaphore(%arg21 : memref<!tpu.dma_semaphore, #tpu.memory_space<semaphore_mem>>)
    %add3A_26 = arith.constant 160 : i32
    %add3A_27 = arith.addi %mul3A_16, %add3A_26 : i32
    "tpu.region"() ({
      %run_scoped3A = tpu.sem_alloc : memref<!tpu.dma_semaphore, #tpu.memory_space<semaphore_mem>>
      %dma_start3A_82 = tpu.memref_slice %arg3[%add3A_27] : memref<320000xi32, #tpu.memory_space<hbm>> -> memref<80xi32, #tpu.memory_space<hbm>>
      %dma_start3A_83 = tpu.memref_slice %arg3[%add3A_27] : memref<320000xi32, #tpu.memory_space<hbm>> -> memref<80xi32, #tpu.memory_space<hbm>>
      tpu.enqueue_dma source(%dma_start3A_83 : memref<80xi32, #tpu.memory_space<hbm>>) target(%arg9 : memref<80xi32, #tpu.memory_space<vmem>>) target_semaphore(%run_scoped3A : memref<!tpu.dma_semaphore, #tpu.memory_space<semaphore_mem>>)
      %dma_wait3A_84 = tpu.memref_slice %arg3[%add3A_27] : memref<320000xi32, #tpu.memory_space<hbm>> -> memref<80xi32, #tpu.memory_space<hbm>>
      %dma_wait3A_85 = tpu.memref_slice %arg3[%add3A_27] : memref<320000xi32, #tpu.memory_space<hbm>> -> memref<80xi32, #tpu.memory_space<hbm>>
      tpu.wait_dma2 semaphore(%run_scoped3A : memref<!tpu.dma_semaphore, #tpu.memory_space<semaphore_mem>>) src(%dma_wait3A_85 : memref<80xi32, #tpu.memory_space<hbm>>) dst(%arg9 : memref<80xi32, #tpu.memory_space<vmem>>)
      tpu.yield
    }) : () -> ()
    %dma_start3A_28 = arith.constant 0 : i32
    %dma_start3A_29 = arith.constant 0 : i32
    %dma_start3A_30 = tpu.memref_slice %arg2[%dma_start3A_28, %dma_start3A_29] : memref<10000x128xf32, #tpu.memory_space<hbm>> -> memref<10000x128xf32, #tpu.memory_space<hbm>>
    tpu.enqueue_indirect_dma source(%dma_start3A_30 : memref<10000x128xf32, #tpu.memory_space<hbm>>) target(%arg17 : memref<80x128xf32, #tpu.memory_space<vmem>>) offsets(%arg9 : memref<80xi32, #tpu.memory_space<vmem>>) semaphore(%arg22 : memref<!tpu.dma_semaphore, #tpu.memory_space<semaphore_mem>>)
    %add3A_31 = arith.constant 240 : i32
    %add3A_32 = arith.addi %mul3A_16, %add3A_31 : i32
    "tpu.region"() ({
      %run_scoped3A = tpu.sem_alloc : memref<!tpu.dma_semaphore, #tpu.memory_space<semaphore_mem>>
      %dma_start3A_82 = tpu.memref_slice %arg3[%add3A_32] : memref<320000xi32, #tpu.memory_space<hbm>> -> memref<80xi32, #tpu.memory_space<hbm>>
      %dma_start3A_83 = tpu.memref_slice %arg3[%add3A_32] : memref<320000xi32, #tpu.memory_space<hbm>> -> memref<80xi32, #tpu.memory_space<hbm>>
      tpu.enqueue_dma source(%dma_start3A_83 : memref<80xi32, #tpu.memory_space<hbm>>) target(%arg10 : memref<80xi32, #tpu.memory_space<vmem>>) target_semaphore(%run_scoped3A : memref<!tpu.dma_semaphore, #tpu.memory_space<semaphore_mem>>)
      %dma_wait3A_84 = tpu.memref_slice %arg3[%add3A_32] : memref<320000xi32, #tpu.memory_space<hbm>> -> memref<80xi32, #tpu.memory_space<hbm>>
      %dma_wait3A_85 = tpu.memref_slice %arg3[%add3A_32] : memref<320000xi32, #tpu.memory_space<hbm>> -> memref<80xi32, #tpu.memory_space<hbm>>
      tpu.wait_dma2 semaphore(%run_scoped3A : memref<!tpu.dma_semaphore, #tpu.memory_space<semaphore_mem>>) src(%dma_wait3A_85 : memref<80xi32, #tpu.memory_space<hbm>>) dst(%arg10 : memref<80xi32, #tpu.memory_space<vmem>>)
      tpu.yield
    }) : () -> ()
    %dma_start3A_33 = arith.constant 0 : i32
    %dma_start3A_34 = arith.constant 0 : i32
    %dma_start3A_35 = tpu.memref_slice %arg2[%dma_start3A_33, %dma_start3A_34] : memref<10000x128xf32, #tpu.memory_space<hbm>> -> memref<10000x128xf32, #tpu.memory_space<hbm>>
    tpu.enqueue_indirect_dma source(%dma_start3A_35 : memref<10000x128xf32, #tpu.memory_space<hbm>>) target(%arg18 : memref<80x128xf32, #tpu.memory_space<vmem>>) offsets(%arg10 : memref<80xi32, #tpu.memory_space<vmem>>) semaphore(%arg23 : memref<!tpu.dma_semaphore, #tpu.memory_space<semaphore_mem>>)
    %scan3A_36 = arith.constant 0 : i32
    %scan3A_37 = arith.constant 0 : i32
    %scan3A_38 = arith.constant 31 : i32
    %scan3A_39 = arith.addi %scan3A_37, %scan3A_38 : i32
    %scan3A_40 = arith.constant 1 : i32
    scf.for %scan3A_82 = %scan3A_37 to %scan3A_39 step %scan3A_40  : i32 {
      %mul3A_83 = arith.constant 4 : i32
      %mul3A_84 = arith.muli %scan3A_82, %mul3A_83 : i32
      %add3A_85 = arith.constant 0 : i32
      %add3A_86 = arith.addi %mul3A_84, %add3A_85 : i32
      %mul3A_87 = arith.constant 80 : i32
      %mul3A_88 = arith.muli %add3A_86, %mul3A_87 : i32
      %add3A_89 = arith.addi %mul3A_16, %mul3A_88 : i32
      "tpu.region"() ({
        %run_scoped3A = tpu.sem_alloc : memref<!tpu.dma_semaphore, #tpu.memory_space<semaphore_mem>>
        %dma_start3A_148 = tpu.memref_slice %arg4[%add3A_89] : memref<320000xi32, #tpu.memory_space<hbm>> -> memref<80xi32, #tpu.memory_space<hbm>>
        %dma_start3A_149 = tpu.memref_slice %arg4[%add3A_89] : memref<320000xi32, #tpu.memory_space<hbm>> -> memref<80xi32, #tpu.memory_space<hbm>>
        tpu.enqueue_dma source(%dma_start3A_149 : memref<80xi32, #tpu.memory_space<hbm>>) target(%arg11 : memref<80xi32, #tpu.memory_space<vmem>>) target_semaphore(%run_scoped3A : memref<!tpu.dma_semaphore, #tpu.memory_space<semaphore_mem>>)
        %dma_wait3A_150 = tpu.memref_slice %arg4[%add3A_89] : memref<320000xi32, #tpu.memory_space<hbm>> -> memref<80xi32, #tpu.memory_space<hbm>>
        %dma_wait3A_151 = tpu.memref_slice %arg4[%add3A_89] : memref<320000xi32, #tpu.memory_space<hbm>> -> memref<80xi32, #tpu.memory_space<hbm>>
        tpu.wait_dma2 semaphore(%run_scoped3A : memref<!tpu.dma_semaphore, #tpu.memory_space<semaphore_mem>>) src(%dma_wait3A_151 : memref<80xi32, #tpu.memory_space<hbm>>) dst(%arg11 : memref<80xi32, #tpu.memory_space<vmem>>)
        tpu.yield
      }) : () -> ()
      %dma_wait3A_90 = arith.constant 0 : i32
      %dma_wait3A_91 = arith.constant 0 : i32
      %dma_wait3A_92 = tpu.memref_slice %arg2[%dma_wait3A_90, %dma_wait3A_91] : memref<10000x128xf32, #tpu.memory_space<hbm>> -> memref<10000x128xf32, #tpu.memory_space<hbm>>
      tpu.wait_indirect_dma semaphore(%arg20 : memref<!tpu.dma_semaphore, #tpu.memory_space<semaphore_mem>>) src(%dma_wait3A_92 : memref<10000x128xf32, #tpu.memory_space<hbm>>) dst(%arg15 : memref<80x128xf32, #tpu.memory_space<vmem>>)
      "tpu.region"() ({
        %run_scoped3A = tpu.sem_alloc : memref<!tpu.dma_semaphore, #tpu.memory_space<semaphore_mem>>
        %dma_start3A_148 = arith.constant 0 : i32
        %dma_start3A_149 = arith.constant 0 : i32
        %dma_start3A_150 = tpu.memref_slice %arg19[%dma_start3A_148, %dma_start3A_149] : memref<10000x128xf32, #tpu.memory_space<vmem_shared>> -> memref<10000x128xf32, #tpu.memory_space<vmem_shared>>
        tpu.enqueue_indirect_dma source(%arg15 : memref<80x128xf32, #tpu.memory_space<vmem>>) target(%dma_start3A_150 : memref<10000x128xf32, #tpu.memory_space<vmem_shared>>) offsets(%arg11 : memref<80xi32, #tpu.memory_space<vmem>>) semaphore(%run_scoped3A : memref<!tpu.dma_semaphore, #tpu.memory_space<semaphore_mem>>) {add = true}
        %dma_wait3A_151 = arith.constant 0 : i32
        %dma_wait3A_152 = arith.constant 0 : i32
        %dma_wait3A_153 = tpu.memref_slice %arg19[%dma_wait3A_151, %dma_wait3A_152] : memref<10000x128xf32, #tpu.memory_space<vmem_shared>> -> memref<10000x128xf32, #tpu.memory_space<vmem_shared>>
        tpu.wait_indirect_dma semaphore(%run_scoped3A : memref<!tpu.dma_semaphore, #tpu.memory_space<semaphore_mem>>) src(%arg15 : memref<80x128xf32, #tpu.memory_space<vmem>>) dst(%dma_wait3A_153 : memref<10000x128xf32, #tpu.memory_space<vmem_shared>>)
        tpu.yield
      }) : () -> ()
      %add3A_93 = arith.constant 4 : i32
      %add3A_94 = arith.addi %add3A_86, %add3A_93 : i32
      %lt3A = arith.constant 125 : i32
      %lt3A_95 = arith.cmpi slt, %add3A_94, %lt3A : i32
      %convert_element_type3A = arith.extui %lt3A_95 : i1 to i32
      %cond3A = arith.constant 0 : i32
      %cond3A_96 = arith.cmpi ne, %convert_element_type3A, %cond3A : i32
      scf.if %cond3A_96 {
        %add3A_148 = arith.constant 4 : i32
        %add3A_149 = arith.addi %add3A_86, %add3A_148 : i32
        %mul3A_150 = arith.constant 80 : i32
        %mul3A_151 = arith.muli %add3A_149, %mul3A_150 : i32
        %add3A_152 = arith.addi %mul3A_16, %mul3A_151 : i32
        "tpu.region"() ({
          %run_scoped3A = tpu.sem_alloc : memref<!tpu.dma_semaphore, #tpu.memory_space<semaphore_mem>>
          %dma_start3A_156 = tpu.memref_slice %arg3[%add3A_152] : memref<320000xi32, #tpu.memory_space<hbm>> -> memref<80xi32, #tpu.memory_space<hbm>>
          %dma_start3A_157 = tpu.memref_slice %arg3[%add3A_152] : memref<320000xi32, #tpu.memory_space<hbm>> -> memref<80xi32, #tpu.memory_space<hbm>>
          tpu.enqueue_dma source(%dma_start3A_157 : memref<80xi32, #tpu.memory_space<hbm>>) target(%arg7 : memref<80xi32, #tpu.memory_space<vmem>>) target_semaphore(%run_scoped3A : memref<!tpu.dma_semaphore, #tpu.memory_space<semaphore_mem>>)
          %dma_wait3A_158 = tpu.memref_slice %arg3[%add3A_152] : memref<320000xi32, #tpu.memory_space<hbm>> -> memref<80xi32, #tpu.memory_space<hbm>>
          %dma_wait3A_159 = tpu.memref_slice %arg3[%add3A_152] : memref<320000xi32, #tpu.memory_space<hbm>> -> memref<80xi32, #tpu.memory_space<hbm>>
          tpu.wait_dma2 semaphore(%run_scoped3A : memref<!tpu.dma_semaphore, #tpu.memory_space<semaphore_mem>>) src(%dma_wait3A_159 : memref<80xi32, #tpu.memory_space<hbm>>) dst(%arg7 : memref<80xi32, #tpu.memory_space<vmem>>)
          tpu.yield
        }) : () -> ()
        %dma_start3A_153 = arith.constant 0 : i32
        %dma_start3A_154 = arith.constant 0 : i32
        %dma_start3A_155 = tpu.memref_slice %arg2[%dma_start3A_153, %dma_start3A_154] : memref<10000x128xf32, #tpu.memory_space<hbm>> -> memref<10000x128xf32, #tpu.memory_space<hbm>>
        tpu.enqueue_indirect_dma source(%dma_start3A_155 : memref<10000x128xf32, #tpu.memory_space<hbm>>) target(%arg15 : memref<80x128xf32, #tpu.memory_space<vmem>>) offsets(%arg7 : memref<80xi32, #tpu.memory_space<vmem>>) semaphore(%arg20 : memref<!tpu.dma_semaphore, #tpu.memory_space<semaphore_mem>>)
      } else {
      }
      %mul3A_97 = arith.constant 4 : i32
      %mul3A_98 = arith.muli %scan3A_82, %mul3A_97 : i32
      %add3A_99 = arith.constant 1 : i32
      %add3A_100 = arith.addi %mul3A_98, %add3A_99 : i32
      %mul3A_101 = arith.constant 80 : i32
      %mul3A_102 = arith.muli %add3A_100, %mul3A_101 : i32
      %add3A_103 = arith.addi %mul3A_16, %mul3A_102 : i32
      "tpu.region"() ({
        %run_scoped3A = tpu.sem_alloc : memref<!tpu.dma_semaphore, #tpu.memory_space<semaphore_mem>>
        %dma_start3A_148 = tpu.memref_slice %arg4[%add3A_103] : memref<320000xi32, #tpu.memory_space<hbm>> -> memref<80xi32, #tpu.memory_space<hbm>>
        %dma_start3A_149 = tpu.memref_slice %arg4[%add3A_103] : memref<320000xi32, #tpu.memory_space<hbm>> -> memref<80xi32, #tpu.memory_space<hbm>>
        tpu.enqueue_dma source(%dma_start3A_149 : memref<80xi32, #tpu.memory_space<hbm>>) target(%arg12 : memref<80xi32, #tpu.memory_space<vmem>>) target_semaphore(%run_scoped3A : memref<!tpu.dma_semaphore, #tpu.memory_space<semaphore_mem>>)
        %dma_wait3A_150 = tpu.memref_slice %arg4[%add3A_103] : memref<320000xi32, #tpu.memory_space<hbm>> -> memref<80xi32, #tpu.memory_space<hbm>>
        %dma_wait3A_151 = tpu.memref_slice %arg4[%add3A_103] : memref<320000xi32, #tpu.memory_space<hbm>> -> memref<80xi32, #tpu.memory_space<hbm>>
        tpu.wait_dma2 semaphore(%run_scoped3A : memref<!tpu.dma_semaphore, #tpu.memory_space<semaphore_mem>>) src(%dma_wait3A_151 : memref<80xi32, #tpu.memory_space<hbm>>) dst(%arg12 : memref<80xi32, #tpu.memory_space<vmem>>)
        tpu.yield
      }) : () -> ()
      %dma_wait3A_104 = arith.constant 0 : i32
      %dma_wait3A_105 = arith.constant 0 : i32
      %dma_wait3A_106 = tpu.memref_slice %arg2[%dma_wait3A_104, %dma_wait3A_105] : memref<10000x128xf32, #tpu.memory_space<hbm>> -> memref<10000x128xf32, #tpu.memory_space<hbm>>
      tpu.wait_indirect_dma semaphore(%arg21 : memref<!tpu.dma_semaphore, #tpu.memory_space<semaphore_mem>>) src(%dma_wait3A_106 : memref<10000x128xf32, #tpu.memory_space<hbm>>) dst(%arg16 : memref<80x128xf32, #tpu.memory_space<vmem>>)
      "tpu.region"() ({
        %run_scoped3A = tpu.sem_alloc : memref<!tpu.dma_semaphore, #tpu.memory_space<semaphore_mem>>
        %dma_start3A_148 = arith.constant 0 : i32
        %dma_start3A_149 = arith.constant 0 : i32
        %dma_start3A_150 = tpu.memref_slice %arg19[%dma_start3A_148, %dma_start3A_149] : memref<10000x128xf32, #tpu.memory_space<vmem_shared>> -> memref<10000x128xf32, #tpu.memory_space<vmem_shared>>
        tpu.enqueue_indirect_dma source(%arg16 : memref<80x128xf32, #tpu.memory_space<vmem>>) target(%dma_start3A_150 : memref<10000x128xf32, #tpu.memory_space<vmem_shared>>) offsets(%arg12 : memref<80xi32, #tpu.memory_space<vmem>>) semaphore(%run_scoped3A : memref<!tpu.dma_semaphore, #tpu.memory_space<semaphore_mem>>) {add = true}
        %dma_wait3A_151 = arith.constant 0 : i32
        %dma_wait3A_152 = arith.constant 0 : i32
        %dma_wait3A_153 = tpu.memref_slice %arg19[%dma_wait3A_151, %dma_wait3A_152] : memref<10000x128xf32, #tpu.memory_space<vmem_shared>> -> memref<10000x128xf32, #tpu.memory_space<vmem_shared>>
        tpu.wait_indirect_dma semaphore(%run_scoped3A : memref<!tpu.dma_semaphore, #tpu.memory_space<semaphore_mem>>) src(%arg16 : memref<80x128xf32, #tpu.memory_space<vmem>>) dst(%dma_wait3A_153 : memref<10000x128xf32, #tpu.memory_space<vmem_shared>>)
        tpu.yield
      }) : () -> ()
      %add3A_107 = arith.constant 4 : i32
      %add3A_108 = arith.addi %add3A_100, %add3A_107 : i32
      %lt3A_109 = arith.constant 125 : i32
      %lt3A_110 = arith.cmpi slt, %add3A_108, %lt3A_109 : i32
      %convert_element_type3A_111 = arith.extui %lt3A_110 : i1 to i32
      %cond3A_112 = arith.constant 0 : i32
      %cond3A_113 = arith.cmpi ne, %convert_element_type3A_111, %cond3A_112 : i32
      scf.if %cond3A_113 {
        %add3A_148 = arith.constant 4 : i32
        %add3A_149 = arith.addi %add3A_100, %add3A_148 : i32
        %mul3A_150 = arith.constant 80 : i32
        %mul3A_151 = arith.muli %add3A_149, %mul3A_150 : i32
        %add3A_152 = arith.addi %mul3A_16, %mul3A_151 : i32
        "tpu.region"() ({
          %run_scoped3A = tpu.sem_alloc : memref<!tpu.dma_semaphore, #tpu.memory_space<semaphore_mem>>
          %dma_start3A_156 = tpu.memref_slice %arg3[%add3A_152] : memref<320000xi32, #tpu.memory_space<hbm>> -> memref<80xi32, #tpu.memory_space<hbm>>
          %dma_start3A_157 = tpu.memref_slice %arg3[%add3A_152] : memref<320000xi32, #tpu.memory_space<hbm>> -> memref<80xi32, #tpu.memory_space<hbm>>
          tpu.enqueue_dma source(%dma_start3A_157 : memref<80xi32, #tpu.memory_space<hbm>>) target(%arg8 : memref<80xi32, #tpu.memory_space<vmem>>) target_semaphore(%run_scoped3A : memref<!tpu.dma_semaphore, #tpu.memory_space<semaphore_mem>>)
          %dma_wait3A_158 = tpu.memref_slice %arg3[%add3A_152] : memref<320000xi32, #tpu.memory_space<hbm>> -> memref<80xi32, #tpu.memory_space<hbm>>
          %dma_wait3A_159 = tpu.memref_slice %arg3[%add3A_152] : memref<320000xi32, #tpu.memory_space<hbm>> -> memref<80xi32, #tpu.memory_space<hbm>>
          tpu.wait_dma2 semaphore(%run_scoped3A : memref<!tpu.dma_semaphore, #tpu.memory_space<semaphore_mem>>) src(%dma_wait3A_159 : memref<80xi32, #tpu.memory_space<hbm>>) dst(%arg8 : memref<80xi32, #tpu.memory_space<vmem>>)
          tpu.yield
        }) : () -> ()
        %dma_start3A_153 = arith.constant 0 : i32
        %dma_start3A_154 = arith.constant 0 : i32
        %dma_start3A_155 = tpu.memref_slice %arg2[%dma_start3A_153, %dma_start3A_154] : memref<10000x128xf32, #tpu.memory_space<hbm>> -> memref<10000x128xf32, #tpu.memory_space<hbm>>
        tpu.enqueue_indirect_dma source(%dma_start3A_155 : memref<10000x128xf32, #tpu.memory_space<hbm>>) target(%arg16 : memref<80x128xf32, #tpu.memory_space<vmem>>) offsets(%arg8 : memref<80xi32, #tpu.memory_space<vmem>>) semaphore(%arg21 : memref<!tpu.dma_semaphore, #tpu.memory_space<semaphore_mem>>)
      } else {
      }
      %mul3A_114 = arith.constant 4 : i32
      %mul3A_115 = arith.muli %scan3A_82, %mul3A_114 : i32
      %add3A_116 = arith.constant 2 : i32
      %add3A_117 = arith.addi %mul3A_115, %add3A_116 : i32
      %mul3A_118 = arith.constant 80 : i32
      %mul3A_119 = arith.muli %add3A_117, %mul3A_118 : i32
      %add3A_120 = arith.addi %mul3A_16, %mul3A_119 : i32
      "tpu.region"() ({
        %run_scoped3A = tpu.sem_alloc : memref<!tpu.dma_semaphore, #tpu.memory_space<semaphore_mem>>
        %dma_start3A_148 = tpu.memref_slice %arg4[%add3A_120] : memref<320000xi32, #tpu.memory_space<hbm>> -> memref<80xi32, #tpu.memory_space<hbm>>
        %dma_start3A_149 = tpu.memref_slice %arg4[%add3A_120] : memref<320000xi32, #tpu.memory_space<hbm>> -> memref<80xi32, #tpu.memory_space<hbm>>
        tpu.enqueue_dma source(%dma_start3A_149 : memref<80xi32, #tpu.memory_space<hbm>>) target(%arg13 : memref<80xi32, #tpu.memory_space<vmem>>) target_semaphore(%run_scoped3A : memref<!tpu.dma_semaphore, #tpu.memory_space<semaphore_mem>>)
        %dma_wait3A_150 = tpu.memref_slice %arg4[%add3A_120] : memref<320000xi32, #tpu.memory_space<hbm>> -> memref<80xi32, #tpu.memory_space<hbm>>
        %dma_wait3A_151 = tpu.memref_slice %arg4[%add3A_120] : memref<320000xi32, #tpu.memory_space<hbm>> -> memref<80xi32, #tpu.memory_space<hbm>>
        tpu.wait_dma2 semaphore(%run_scoped3A : memref<!tpu.dma_semaphore, #tpu.memory_space<semaphore_mem>>) src(%dma_wait3A_151 : memref<80xi32, #tpu.memory_space<hbm>>) dst(%arg13 : memref<80xi32, #tpu.memory_space<vmem>>)
        tpu.yield
      }) : () -> ()
      %dma_wait3A_121 = arith.constant 0 : i32
      %dma_wait3A_122 = arith.constant 0 : i32
      %dma_wait3A_123 = tpu.memref_slice %arg2[%dma_wait3A_121, %dma_wait3A_122] : memref<10000x128xf32, #tpu.memory_space<hbm>> -> memref<10000x128xf32, #tpu.memory_space<hbm>>
      tpu.wait_indirect_dma semaphore(%arg22 : memref<!tpu.dma_semaphore, #tpu.memory_space<semaphore_mem>>) src(%dma_wait3A_123 : memref<10000x128xf32, #tpu.memory_space<hbm>>) dst(%arg17 : memref<80x128xf32, #tpu.memory_space<vmem>>)
      "tpu.region"() ({
        %run_scoped3A = tpu.sem_alloc : memref<!tpu.dma_semaphore, #tpu.memory_space<semaphore_mem>>
        %dma_start3A_148 = arith.constant 0 : i32
        %dma_start3A_149 = arith.constant 0 : i32
        %dma_start3A_150 = tpu.memref_slice %arg19[%dma_start3A_148, %dma_start3A_149] : memref<10000x128xf32, #tpu.memory_space<vmem_shared>> -> memref<10000x128xf32, #tpu.memory_space<vmem_shared>>
        tpu.enqueue_indirect_dma source(%arg17 : memref<80x128xf32, #tpu.memory_space<vmem>>) target(%dma_start3A_150 : memref<10000x128xf32, #tpu.memory_space<vmem_shared>>) offsets(%arg13 : memref<80xi32, #tpu.memory_space<vmem>>) semaphore(%run_scoped3A : memref<!tpu.dma_semaphore, #tpu.memory_space<semaphore_mem>>) {add = true}
        %dma_wait3A_151 = arith.constant 0 : i32
        %dma_wait3A_152 = arith.constant 0 : i32
        %dma_wait3A_153 = tpu.memref_slice %arg19[%dma_wait3A_151, %dma_wait3A_152] : memref<10000x128xf32, #tpu.memory_space<vmem_shared>> -> memref<10000x128xf32, #tpu.memory_space<vmem_shared>>
        tpu.wait_indirect_dma semaphore(%run_scoped3A : memref<!tpu.dma_semaphore, #tpu.memory_space<semaphore_mem>>) src(%arg17 : memref<80x128xf32, #tpu.memory_space<vmem>>) dst(%dma_wait3A_153 : memref<10000x128xf32, #tpu.memory_space<vmem_shared>>)
        tpu.yield
      }) : () -> ()
      %add3A_124 = arith.constant 4 : i32
      %add3A_125 = arith.addi %add3A_117, %add3A_124 : i32
      %lt3A_126 = arith.constant 125 : i32
      %lt3A_127 = arith.cmpi slt, %add3A_125, %lt3A_126 : i32
      %convert_element_type3A_128 = arith.extui %lt3A_127 : i1 to i32
      %cond3A_129 = arith.constant 0 : i32
      %cond3A_130 = arith.cmpi ne, %convert_element_type3A_128, %cond3A_129 : i32
      scf.if %cond3A_130 {
        %add3A_148 = arith.constant 4 : i32
        %add3A_149 = arith.addi %add3A_117, %add3A_148 : i32
        %mul3A_150 = arith.constant 80 : i32
        %mul3A_151 = arith.muli %add3A_149, %mul3A_150 : i32
        %add3A_152 = arith.addi %mul3A_16, %mul3A_151 : i32
        "tpu.region"() ({
          %run_scoped3A = tpu.sem_alloc : memref<!tpu.dma_semaphore, #tpu.memory_space<semaphore_mem>>
          %dma_start3A_156 = tpu.memref_slice %arg3[%add3A_152] : memref<320000xi32, #tpu.memory_space<hbm>> -> memref<80xi32, #tpu.memory_space<hbm>>
          %dma_start3A_157 = tpu.memref_slice %arg3[%add3A_152] : memref<320000xi32, #tpu.memory_space<hbm>> -> memref<80xi32, #tpu.memory_space<hbm>>
          tpu.enqueue_dma source(%dma_start3A_157 : memref<80xi32, #tpu.memory_space<hbm>>) target(%arg9 : memref<80xi32, #tpu.memory_space<vmem>>) target_semaphore(%run_scoped3A : memref<!tpu.dma_semaphore, #tpu.memory_space<semaphore_mem>>)
          %dma_wait3A_158 = tpu.memref_slice %arg3[%add3A_152] : memref<320000xi32, #tpu.memory_space<hbm>> -> memref<80xi32, #tpu.memory_space<hbm>>
          %dma_wait3A_159 = tpu.memref_slice %arg3[%add3A_152] : memref<320000xi32, #tpu.memory_space<hbm>> -> memref<80xi32, #tpu.memory_space<hbm>>
          tpu.wait_dma2 semaphore(%run_scoped3A : memref<!tpu.dma_semaphore, #tpu.memory_space<semaphore_mem>>) src(%dma_wait3A_159 : memref<80xi32, #tpu.memory_space<hbm>>) dst(%arg9 : memref<80xi32, #tpu.memory_space<vmem>>)
          tpu.yield
        }) : () -> ()
        %dma_start3A_153 = arith.constant 0 : i32
        %dma_start3A_154 = arith.constant 0 : i32
        %dma_start3A_155 = tpu.memref_slice %arg2[%dma_start3A_153, %dma_start3A_154] : memref<10000x128xf32, #tpu.memory_space<hbm>> -> memref<10000x128xf32, #tpu.memory_space<hbm>>
        tpu.enqueue_indirect_dma source(%dma_start3A_155 : memref<10000x128xf32, #tpu.memory_space<hbm>>) target(%arg17 : memref<80x128xf32, #tpu.memory_space<vmem>>) offsets(%arg9 : memref<80xi32, #tpu.memory_space<vmem>>) semaphore(%arg22 : memref<!tpu.dma_semaphore, #tpu.memory_space<semaphore_mem>>)
      } else {
      }
      %mul3A_131 = arith.constant 4 : i32
      %mul3A_132 = arith.muli %scan3A_82, %mul3A_131 : i32
      %add3A_133 = arith.constant 3 : i32
      %add3A_134 = arith.addi %mul3A_132, %add3A_133 : i32
      %mul3A_135 = arith.constant 80 : i32
      %mul3A_136 = arith.muli %add3A_134, %mul3A_135 : i32
      %add3A_137 = arith.addi %mul3A_16, %mul3A_136 : i32
      "tpu.region"() ({
        %run_scoped3A = tpu.sem_alloc : memref<!tpu.dma_semaphore, #tpu.memory_space<semaphore_mem>>
        %dma_start3A_148 = tpu.memref_slice %arg4[%add3A_137] : memref<320000xi32, #tpu.memory_space<hbm>> -> memref<80xi32, #tpu.memory_space<hbm>>
        %dma_start3A_149 = tpu.memref_slice %arg4[%add3A_137] : memref<320000xi32, #tpu.memory_space<hbm>> -> memref<80xi32, #tpu.memory_space<hbm>>
        tpu.enqueue_dma source(%dma_start3A_149 : memref<80xi32, #tpu.memory_space<hbm>>) target(%arg14 : memref<80xi32, #tpu.memory_space<vmem>>) target_semaphore(%run_scoped3A : memref<!tpu.dma_semaphore, #tpu.memory_space<semaphore_mem>>)
        %dma_wait3A_150 = tpu.memref_slice %arg4[%add3A_137] : memref<320000xi32, #tpu.memory_space<hbm>> -> memref<80xi32, #tpu.memory_space<hbm>>
        %dma_wait3A_151 = tpu.memref_slice %arg4[%add3A_137] : memref<320000xi32, #tpu.memory_space<hbm>> -> memref<80xi32, #tpu.memory_space<hbm>>
        tpu.wait_dma2 semaphore(%run_scoped3A : memref<!tpu.dma_semaphore, #tpu.memory_space<semaphore_mem>>) src(%dma_wait3A_151 : memref<80xi32, #tpu.memory_space<hbm>>) dst(%arg14 : memref<80xi32, #tpu.memory_space<vmem>>)
        tpu.yield
      }) : () -> ()
      %dma_wait3A_138 = arith.constant 0 : i32
      %dma_wait3A_139 = arith.constant 0 : i32
      %dma_wait3A_140 = tpu.memref_slice %arg2[%dma_wait3A_138, %dma_wait3A_139] : memref<10000x128xf32, #tpu.memory_space<hbm>> -> memref<10000x128xf32, #tpu.memory_space<hbm>>
      tpu.wait_indirect_dma semaphore(%arg23 : memref<!tpu.dma_semaphore, #tpu.memory_space<semaphore_mem>>) src(%dma_wait3A_140 : memref<10000x128xf32, #tpu.memory_space<hbm>>) dst(%arg18 : memref<80x128xf32, #tpu.memory_space<vmem>>)
      "tpu.region"() ({
        %run_scoped3A = tpu.sem_alloc : memref<!tpu.dma_semaphore, #tpu.memory_space<semaphore_mem>>
        %dma_start3A_148 = arith.constant 0 : i32
        %dma_start3A_149 = arith.constant 0 : i32
        %dma_start3A_150 = tpu.memref_slice %arg19[%dma_start3A_148, %dma_start3A_149] : memref<10000x128xf32, #tpu.memory_space<vmem_shared>> -> memref<10000x128xf32, #tpu.memory_space<vmem_shared>>
        tpu.enqueue_indirect_dma source(%arg18 : memref<80x128xf32, #tpu.memory_space<vmem>>) target(%dma_start3A_150 : memref<10000x128xf32, #tpu.memory_space<vmem_shared>>) offsets(%arg14 : memref<80xi32, #tpu.memory_space<vmem>>) semaphore(%run_scoped3A : memref<!tpu.dma_semaphore, #tpu.memory_space<semaphore_mem>>) {add = true}
        %dma_wait3A_151 = arith.constant 0 : i32
        %dma_wait3A_152 = arith.constant 0 : i32
        %dma_wait3A_153 = tpu.memref_slice %arg19[%dma_wait3A_151, %dma_wait3A_152] : memref<10000x128xf32, #tpu.memory_space<vmem_shared>> -> memref<10000x128xf32, #tpu.memory_space<vmem_shared>>
        tpu.wait_indirect_dma semaphore(%run_scoped3A : memref<!tpu.dma_semaphore, #tpu.memory_space<semaphore_mem>>) src(%arg18 : memref<80x128xf32, #tpu.memory_space<vmem>>) dst(%dma_wait3A_153 : memref<10000x128xf32, #tpu.memory_space<vmem_shared>>)
        tpu.yield
      }) : () -> ()
      %add3A_141 = arith.constant 4 : i32
      %add3A_142 = arith.addi %add3A_134, %add3A_141 : i32
      %lt3A_143 = arith.constant 125 : i32
      %lt3A_144 = arith.cmpi slt, %add3A_142, %lt3A_143 : i32
      %convert_element_type3A_145 = arith.extui %lt3A_144 : i1 to i32
      %cond3A_146 = arith.constant 0 : i32
      %cond3A_147 = arith.cmpi ne, %convert_element_type3A_145, %cond3A_146 : i32
      scf.if %cond3A_147 {
        %add3A_148 = arith.constant 4 : i32
        %add3A_149 = arith.addi %add3A_134, %add3A_148 : i32
        %mul3A_150 = arith.constant 80 : i32
        %mul3A_151 = arith.muli %add3A_149, %mul3A_150 : i32
        %add3A_152 = arith.addi %mul3A_16, %mul3A_151 : i32
        "tpu.region"() ({
          %run_scoped3A = tpu.sem_alloc : memref<!tpu.dma_semaphore, #tpu.memory_space<semaphore_mem>>
          %dma_start3A_156 = tpu.memref_slice %arg3[%add3A_152] : memref<320000xi32, #tpu.memory_space<hbm>> -> memref<80xi32, #tpu.memory_space<hbm>>
          %dma_start3A_157 = tpu.memref_slice %arg3[%add3A_152] : memref<320000xi32, #tpu.memory_space<hbm>> -> memref<80xi32, #tpu.memory_space<hbm>>
          tpu.enqueue_dma source(%dma_start3A_157 : memref<80xi32, #tpu.memory_space<hbm>>) target(%arg10 : memref<80xi32, #tpu.memory_space<vmem>>) target_semaphore(%run_scoped3A : memref<!tpu.dma_semaphore, #tpu.memory_space<semaphore_mem>>)
          %dma_wait3A_158 = tpu.memref_slice %arg3[%add3A_152] : memref<320000xi32, #tpu.memory_space<hbm>> -> memref<80xi32, #tpu.memory_space<hbm>>
          %dma_wait3A_159 = tpu.memref_slice %arg3[%add3A_152] : memref<320000xi32, #tpu.memory_space<hbm>> -> memref<80xi32, #tpu.memory_space<hbm>>
          tpu.wait_dma2 semaphore(%run_scoped3A : memref<!tpu.dma_semaphore, #tpu.memory_space<semaphore_mem>>) src(%dma_wait3A_159 : memref<80xi32, #tpu.memory_space<hbm>>) dst(%arg10 : memref<80xi32, #tpu.memory_space<vmem>>)
          tpu.yield
        }) : () -> ()
        %dma_start3A_153 = arith.constant 0 : i32
        %dma_start3A_154 = arith.constant 0 : i32
        %dma_start3A_155 = tpu.memref_slice %arg2[%dma_start3A_153, %dma_start3A_154] : memref<10000x128xf32, #tpu.memory_space<hbm>> -> memref<10000x128xf32, #tpu.memory_space<hbm>>
        tpu.enqueue_indirect_dma source(%dma_start3A_155 : memref<10000x128xf32, #tpu.memory_space<hbm>>) target(%arg18 : memref<80x128xf32, #tpu.memory_space<vmem>>) offsets(%arg10 : memref<80xi32, #tpu.memory_space<vmem>>) semaphore(%arg23 : memref<!tpu.dma_semaphore, #tpu.memory_space<semaphore_mem>>)
      } else {
      }
    }
    %scan3A_41 = arith.constant 31 : i32
    %add3A_42 = arith.constant 9920 : i32
    %add3A_43 = arith.addi %mul3A_16, %add3A_42 : i32
    "tpu.region"() ({
      %run_scoped3A = tpu.sem_alloc : memref<!tpu.dma_semaphore, #tpu.memory_space<semaphore_mem>>
      %dma_start3A_82 = tpu.memref_slice %arg4[%add3A_43] : memref<320000xi32, #tpu.memory_space<hbm>> -> memref<80xi32, #tpu.memory_space<hbm>>
      %dma_start3A_83 = tpu.memref_slice %arg4[%add3A_43] : memref<320000xi32, #tpu.memory_space<hbm>> -> memref<80xi32, #tpu.memory_space<hbm>>
      tpu.enqueue_dma source(%dma_start3A_83 : memref<80xi32, #tpu.memory_space<hbm>>) target(%arg11 : memref<80xi32, #tpu.memory_space<vmem>>) target_semaphore(%run_scoped3A : memref<!tpu.dma_semaphore, #tpu.memory_space<semaphore_mem>>)
      %dma_wait3A_84 = tpu.memref_slice %arg4[%add3A_43] : memref<320000xi32, #tpu.memory_space<hbm>> -> memref<80xi32, #tpu.memory_space<hbm>>
      %dma_wait3A_85 = tpu.memref_slice %arg4[%add3A_43] : memref<320000xi32, #tpu.memory_space<hbm>> -> memref<80xi32, #tpu.memory_space<hbm>>
      tpu.wait_dma2 semaphore(%run_scoped3A : memref<!tpu.dma_semaphore, #tpu.memory_space<semaphore_mem>>) src(%dma_wait3A_85 : memref<80xi32, #tpu.memory_space<hbm>>) dst(%arg11 : memref<80xi32, #tpu.memory_space<vmem>>)
      tpu.yield
    }) : () -> ()
    %dma_wait3A = arith.constant 0 : i32
    %dma_wait3A_44 = arith.constant 0 : i32
    %dma_wait3A_45 = tpu.memref_slice %arg2[%dma_wait3A, %dma_wait3A_44] : memref<10000x128xf32, #tpu.memory_space<hbm>> -> memref<10000x128xf32, #tpu.memory_space<hbm>>
    tpu.wait_indirect_dma semaphore(%arg20 : memref<!tpu.dma_semaphore, #tpu.memory_space<semaphore_mem>>) src(%dma_wait3A_45 : memref<10000x128xf32, #tpu.memory_space<hbm>>) dst(%arg15 : memref<80x128xf32, #tpu.memory_space<vmem>>)
    "tpu.region"() ({
      %run_scoped3A = tpu.sem_alloc : memref<!tpu.dma_semaphore, #tpu.memory_space<semaphore_mem>>
      %dma_start3A_82 = arith.constant 0 : i32
      %dma_start3A_83 = arith.constant 0 : i32
      %dma_start3A_84 = tpu.memref_slice %arg19[%dma_start3A_82, %dma_start3A_83] : memref<10000x128xf32, #tpu.memory_space<vmem_shared>> -> memref<10000x128xf32, #tpu.memory_space<vmem_shared>>
      tpu.enqueue_indirect_dma source(%arg15 : memref<80x128xf32, #tpu.memory_space<vmem>>) target(%dma_start3A_84 : memref<10000x128xf32, #tpu.memory_space<vmem_shared>>) offsets(%arg11 : memref<80xi32, #tpu.memory_space<vmem>>) semaphore(%run_scoped3A : memref<!tpu.dma_semaphore, #tpu.memory_space<semaphore_mem>>) {add = true}
      %dma_wait3A_85 = arith.constant 0 : i32
      %dma_wait3A_86 = arith.constant 0 : i32
      %dma_wait3A_87 = tpu.memref_slice %arg19[%dma_wait3A_85, %dma_wait3A_86] : memref<10000x128xf32, #tpu.memory_space<vmem_shared>> -> memref<10000x128xf32, #tpu.memory_space<vmem_shared>>
      tpu.wait_indirect_dma semaphore(%run_scoped3A : memref<!tpu.dma_semaphore, #tpu.memory_space<semaphore_mem>>) src(%arg15 : memref<80x128xf32, #tpu.memory_space<vmem>>) dst(%dma_wait3A_87 : memref<10000x128xf32, #tpu.memory_space<vmem_shared>>)
      tpu.yield
    }) : () -> ()
    %barrier3A_46 = arith.constant 0 : index
    tpu.barrier barrier_id(%barrier3A_46)
    %scan3A_47 = arith.constant 0 : i32
    %scan3A_48 = arith.constant 0 : i32
    %scan3A_49 = arith.constant 8 : i32
    %scan3A_50 = arith.addi %scan3A_48, %scan3A_49 : i32
    %scan3A_51 = arith.constant 1 : i32
    scf.for %scan3A_82 = %scan3A_48 to %scan3A_50 step %scan3A_51  : i32 {
      %mul3A_83 = arith.constant 16 : i32
      %mul3A_84 = arith.muli %scan3A_82, %mul3A_83 : i32
      %add3A_85 = arith.addi %mul3A_84, %arg1 : i32
      %lt3A = arith.constant 125 : i32
      %lt3A_86 = arith.cmpi slt, %add3A_85, %lt3A : i32
      %convert_element_type3A = arith.extui %lt3A_86 : i1 to i32
      %cond3A = arith.constant 0 : i32
      %cond3A_87 = arith.cmpi ne, %convert_element_type3A, %cond3A : i32
      scf.if %cond3A_87 {
        %mul3A_88 = arith.constant 80 : i32
        %mul3A_89 = arith.muli %add3A_85, %mul3A_88 : i32
        "tpu.region"() ({
          %run_scoped3A = tpu.sem_alloc : memref<!tpu.dma_semaphore, #tpu.memory_space<semaphore_mem>>
          %dma_start3A_90 = arith.constant 0 : i32
          %dma_start3A_91 = tpu.memref_slice %arg5[%arg0, %mul3A_89, %dma_start3A_90] : memref<2x10000x128xf32, #tpu.memory_space<hbm>> -> memref<1x80x128xf32, #tpu.memory_space<hbm>>
          %dma_start3A_92 = tpu.memref_squeeze %dma_start3A_91 : memref<1x80x128xf32, #tpu.memory_space<hbm>> -> memref<80x128xf32, #tpu.memory_space<hbm>>
          %dma_start3A_93 = arith.constant 0 : i32
          %dma_start3A_94 = tpu.memref_slice %arg19[%mul3A_89, %dma_start3A_93] : memref<10000x128xf32, #tpu.memory_space<vmem_shared>> -> memref<80x128xf32, #tpu.memory_space<vmem_shared>>
          tpu.enqueue_dma source(%dma_start3A_94 : memref<80x128xf32, #tpu.memory_space<vmem_shared>>) target(%dma_start3A_92 : memref<80x128xf32, #tpu.memory_space<hbm>>) target_semaphore(%run_scoped3A : memref<!tpu.dma_semaphore, #tpu.memory_space<semaphore_mem>>)
          %dma_wait3A_95 = arith.constant 0 : i32
          %dma_wait3A_96 = tpu.memref_slice %arg5[%arg0, %mul3A_89, %dma_wait3A_95] : memref<2x10000x128xf32, #tpu.memory_space<hbm>> -> memref<1x80x128xf32, #tpu.memory_space<hbm>>
          %dma_wait3A_97 = tpu.memref_squeeze %dma_wait3A_96 : memref<1x80x128xf32, #tpu.memory_space<hbm>> -> memref<80x128xf32, #tpu.memory_space<hbm>>
          %dma_wait3A_98 = arith.constant 0 : i32
          %dma_wait3A_99 = tpu.memref_slice %arg19[%mul3A_89, %dma_wait3A_98] : memref<10000x128xf32, #tpu.memory_space<vmem_shared>> -> memref<80x128xf32, #tpu.memory_space<vmem_shared>>
          tpu.wait_dma2 semaphore(%run_scoped3A : memref<!tpu.dma_semaphore, #tpu.memory_space<semaphore_mem>>) src(%dma_wait3A_99 : memref<80x128xf32, #tpu.memory_space<vmem_shared>>) dst(%dma_wait3A_97 : memref<80x128xf32, #tpu.memory_space<hbm>>)
          tpu.yield
        }) : () -> ()
      } else {
      }
    }
    %scan3A_52 = arith.constant 8 : i32
    %barrier3A_53 = arith.constant 0 : index
    tpu.barrier barrier_id(%barrier3A_53)
    %scan3A_54 = arith.constant 0 : i32
    %scan3A_55 = arith.constant 0 : i32
    %scan3A_56 = arith.constant 80 : i32
    %scan3A_57 = arith.addi %scan3A_55, %scan3A_56 : i32
    %scan3A_58 = arith.constant 1 : i32
    scf.for %scan3A_82 = %scan3A_55 to %scan3A_57 step %scan3A_58  : i32 {
      %swap3A = arith.index_cast %scan3A_82 : i32 to index
      %swap3A_83 = arith.constant 0 : index
      %swap3A_84 = tpu.vector_load %arg15[%swap3A, %swap3A_83] {strides = array<i32>} : memref<80x128xf32, #tpu.memory_space<vmem>>, vector<1x16xf32>,
      %swap3A_85 = vector.shape_cast %swap3A_84 : vector<1x16xf32> to vector<16xf32>
      %swap3A_86 = vector.shape_cast %broadcast_in_dim3A_0 : vector<16xf32> to vector<1x16xf32>
      tpu.vector_store %arg15[%swap3A, %swap3A_83], %swap3A_86 {strides = array<i32>} : memref<80x128xf32, #tpu.memory_space<vmem>>, vector<1x16xf32>,
      %swap3A_87 = arith.index_cast %scan3A_82 : i32 to index
      %swap3A_88 = arith.constant 0 : index
      %swap3A_89 = tpu.vector_load %arg16[%swap3A_87, %swap3A_88] {strides = array<i32>} : memref<80x128xf32, #tpu.memory_space<vmem>>, vector<1x16xf32>,
      %swap3A_90 = vector.shape_cast %swap3A_89 : vector<1x16xf32> to vector<16xf32>
      %swap3A_91 = vector.shape_cast %broadcast_in_dim3A_2 : vector<16xf32> to vector<1x16xf32>
      tpu.vector_store %arg16[%swap3A_87, %swap3A_88], %swap3A_91 {strides = array<i32>} : memref<80x128xf32, #tpu.memory_space<vmem>>, vector<1x16xf32>,
      %swap3A_92 = arith.index_cast %scan3A_82 : i32 to index
      %swap3A_93 = arith.constant 16 : index
      %swap3A_94 = tpu.vector_load %arg15[%swap3A_92, %swap3A_93] {strides = array<i32>} : memref<80x128xf32, #tpu.memory_space<vmem>>, vector<1x16xf32>,
      %swap3A_95 = vector.shape_cast %swap3A_94 : vector<1x16xf32> to vector<16xf32>
      %swap3A_96 = vector.shape_cast %broadcast_in_dim3A_0 : vector<16xf32> to vector<1x16xf32>
      tpu.vector_store %arg15[%swap3A_92, %swap3A_93], %swap3A_96 {strides = array<i32>} : memref<80x128xf32, #tpu.memory_space<vmem>>, vector<1x16xf32>,
      %swap3A_97 = arith.index_cast %scan3A_82 : i32 to index
      %swap3A_98 = arith.constant 16 : index
      %swap3A_99 = tpu.vector_load %arg16[%swap3A_97, %swap3A_98] {strides = array<i32>} : memref<80x128xf32, #tpu.memory_space<vmem>>, vector<1x16xf32>,
      %swap3A_100 = vector.shape_cast %swap3A_99 : vector<1x16xf32> to vector<16xf32>
      %swap3A_101 = vector.shape_cast %broadcast_in_dim3A_2 : vector<16xf32> to vector<1x16xf32>
      tpu.vector_store %arg16[%swap3A_97, %swap3A_98], %swap3A_101 {strides = array<i32>} : memref<80x128xf32, #tpu.memory_space<vmem>>, vector<1x16xf32>,
      %swap3A_102 = arith.index_cast %scan3A_82 : i32 to index
      %swap3A_103 = arith.constant 32 : index
      %swap3A_104 = tpu.vector_load %arg15[%swap3A_102, %swap3A_103] {strides = array<i32>} : memref<80x128xf32, #tpu.memory_space<vmem>>, vector<1x16xf32>,
      %swap3A_105 = vector.shape_cast %swap3A_104 : vector<1x16xf32> to vector<16xf32>
      %swap3A_106 = vector.shape_cast %broadcast_in_dim3A_0 : vector<16xf32> to vector<1x16xf32>
      tpu.vector_store %arg15[%swap3A_102, %swap3A_103], %swap3A_106 {strides = array<i32>} : memref<80x128xf32, #tpu.memory_space<vmem>>, vector<1x16xf32>,
      %swap3A_107 = arith.index_cast %scan3A_82 : i32 to index
      %swap3A_108 = arith.constant 32 : index
      %swap3A_109 = tpu.vector_load %arg16[%swap3A_107, %swap3A_108] {strides = array<i32>} : memref<80x128xf32, #tpu.memory_space<vmem>>, vector<1x16xf32>,
      %swap3A_110 = vector.shape_cast %swap3A_109 : vector<1x16xf32> to vector<16xf32>
      %swap3A_111 = vector.shape_cast %broadcast_in_dim3A_2 : vector<16xf32> to vector<1x16xf32>
      tpu.vector_store %arg16[%swap3A_107, %swap3A_108], %swap3A_111 {strides = array<i32>} : memref<80x128xf32, #tpu.memory_space<vmem>>, vector<1x16xf32>,
      %swap3A_112 = arith.index_cast %scan3A_82 : i32 to index
      %swap3A_113 = arith.constant 48 : index
      %swap3A_114 = tpu.vector_load %arg15[%swap3A_112, %swap3A_113] {strides = array<i32>} : memref<80x128xf32, #tpu.memory_space<vmem>>, vector<1x16xf32>,
      %swap3A_115 = vector.shape_cast %swap3A_114 : vector<1x16xf32> to vector<16xf32>
      %swap3A_116 = vector.shape_cast %broadcast_in_dim3A_0 : vector<16xf32> to vector<1x16xf32>
      tpu.vector_store %arg15[%swap3A_112, %swap3A_113], %swap3A_116 {strides = array<i32>} : memref<80x128xf32, #tpu.memory_space<vmem>>, vector<1x16xf32>,
      %swap3A_117 = arith.index_cast %scan3A_82 : i32 to index
      %swap3A_118 = arith.constant 48 : index
      %swap3A_119 = tpu.vector_load %arg16[%swap3A_117, %swap3A_118] {strides = array<i32>} : memref<80x128xf32, #tpu.memory_space<vmem>>, vector<1x16xf32>,
      %swap3A_120 = vector.shape_cast %swap3A_119 : vector<1x16xf32> to vector<16xf32>
      %swap3A_121 = vector.shape_cast %broadcast_in_dim3A_2 : vector<16xf32> to vector<1x16xf32>
      tpu.vector_store %arg16[%swap3A_117, %swap3A_118], %swap3A_121 {strides = array<i32>} : memref<80x128xf32, #tpu.memory_space<vmem>>, vector<1x16xf32>,
      %swap3A_122 = arith.index_cast %scan3A_82 : i32 to index
      %swap3A_123 = arith.constant 64 : index
      %swap3A_124 = tpu.vector_load %arg15[%swap3A_122, %swap3A_123] {strides = array<i32>} : memref<80x128xf32, #tpu.memory_space<vmem>>, vector<1x16xf32>,
      %swap3A_125 = vector.shape_cast %swap3A_124 : vector<1x16xf32> to vector<16xf32>
      %swap3A_126 = vector.shape_cast %broadcast_in_dim3A_0 : vector<16xf32> to vector<1x16xf32>
      tpu.vector_store %arg15[%swap3A_122, %swap3A_123], %swap3A_126 {strides = array<i32>} : memref<80x128xf32, #tpu.memory_space<vmem>>, vector<1x16xf32>,
      %swap3A_127 = arith.index_cast %scan3A_82 : i32 to index
      %swap3A_128 = arith.constant 64 : index
      %swap3A_129 = tpu.vector_load %arg16[%swap3A_127, %swap3A_128] {strides = array<i32>} : memref<80x128xf32, #tpu.memory_space<vmem>>, vector<1x16xf32>,
      %swap3A_130 = vector.shape_cast %swap3A_129 : vector<1x16xf32> to vector<16xf32>
      %swap3A_131 = vector.shape_cast %broadcast_in_dim3A_2 : vector<16xf32> to vector<1x16xf32>
      tpu.vector_store %arg16[%swap3A_127, %swap3A_128], %swap3A_131 {strides = array<i32>} : memref<80x128xf32, #tpu.memory_space<vmem>>, vector<1x16xf32>,
      %swap3A_132 = arith.index_cast %scan3A_82 : i32 to index
      %swap3A_133 = arith.constant 80 : index
      %swap3A_134 = tpu.vector_load %arg15[%swap3A_132, %swap3A_133] {strides = array<i32>} : memref<80x128xf32, #tpu.memory_space<vmem>>, vector<1x16xf32>,
      %swap3A_135 = vector.shape_cast %swap3A_134 : vector<1x16xf32> to vector<16xf32>
      %swap3A_136 = vector.shape_cast %broadcast_in_dim3A_0 : vector<16xf32> to vector<1x16xf32>
      tpu.vector_store %arg15[%swap3A_132, %swap3A_133], %swap3A_136 {strides = array<i32>} : memref<80x128xf32, #tpu.memory_space<vmem>>, vector<1x16xf32>,
      %swap3A_137 = arith.index_cast %scan3A_82 : i32 to index
      %swap3A_138 = arith.constant 80 : index
      %swap3A_139 = tpu.vector_load %arg16[%swap3A_137, %swap3A_138] {strides = array<i32>} : memref<80x128xf32, #tpu.memory_space<vmem>>, vector<1x16xf32>,
      %swap3A_140 = vector.shape_cast %swap3A_139 : vector<1x16xf32> to vector<16xf32>
      %swap3A_141 = vector.shape_cast %broadcast_in_dim3A_2 : vector<16xf32> to vector<1x16xf32>
      tpu.vector_store %arg16[%swap3A_137, %swap3A_138], %swap3A_141 {strides = array<i32>} : memref<80x128xf32, #tpu.memory_space<vmem>>, vector<1x16xf32>,
      %swap3A_142 = arith.index_cast %scan3A_82 : i32 to index
      %swap3A_143 = arith.constant 96 : index
      %swap3A_144 = tpu.vector_load %arg15[%swap3A_142, %swap3A_143] {strides = array<i32>} : memref<80x128xf32, #tpu.memory_space<vmem>>, vector<1x16xf32>,
      %swap3A_145 = vector.shape_cast %swap3A_144 : vector<1x16xf32> to vector<16xf32>
      %swap3A_146 = vector.shape_cast %broadcast_in_dim3A_0 : vector<16xf32> to vector<1x16xf32>
      tpu.vector_store %arg15[%swap3A_142, %swap3A_143], %swap3A_146 {strides = array<i32>} : memref<80x128xf32, #tpu.memory_space<vmem>>, vector<1x16xf32>,
      %swap3A_147 = arith.index_cast %scan3A_82 : i32 to index
      %swap3A_148 = arith.constant 96 : index
      %swap3A_149 = tpu.vector_load %arg16[%swap3A_147, %swap3A_148] {strides = array<i32>} : memref<80x128xf32, #tpu.memory_space<vmem>>, vector<1x16xf32>,
      %swap3A_150 = vector.shape_cast %swap3A_149 : vector<1x16xf32> to vector<16xf32>
      %swap3A_151 = vector.shape_cast %broadcast_in_dim3A_2 : vector<16xf32> to vector<1x16xf32>
      tpu.vector_store %arg16[%swap3A_147, %swap3A_148], %swap3A_151 {strides = array<i32>} : memref<80x128xf32, #tpu.memory_space<vmem>>, vector<1x16xf32>,
      %swap3A_152 = arith.index_cast %scan3A_82 : i32 to index
      %swap3A_153 = arith.constant 112 : index
      %swap3A_154 = tpu.vector_load %arg15[%swap3A_152, %swap3A_153] {strides = array<i32>} : memref<80x128xf32, #tpu.memory_space<vmem>>, vector<1x16xf32>,
      %swap3A_155 = vector.shape_cast %swap3A_154 : vector<1x16xf32> to vector<16xf32>
      %swap3A_156 = vector.shape_cast %broadcast_in_dim3A_0 : vector<16xf32> to vector<1x16xf32>
      tpu.vector_store %arg15[%swap3A_152, %swap3A_153], %swap3A_156 {strides = array<i32>} : memref<80x128xf32, #tpu.memory_space<vmem>>, vector<1x16xf32>,
      %swap3A_157 = arith.index_cast %scan3A_82 : i32 to index
      %swap3A_158 = arith.constant 112 : index
      %swap3A_159 = tpu.vector_load %arg16[%swap3A_157, %swap3A_158] {strides = array<i32>} : memref<80x128xf32, #tpu.memory_space<vmem>>, vector<1x16xf32>,
      %swap3A_160 = vector.shape_cast %swap3A_159 : vector<1x16xf32> to vector<16xf32>
      %swap3A_161 = vector.shape_cast %broadcast_in_dim3A_2 : vector<16xf32> to vector<1x16xf32>
      tpu.vector_store %arg16[%swap3A_157, %swap3A_158], %swap3A_161 {strides = array<i32>} : memref<80x128xf32, #tpu.memory_space<vmem>>, vector<1x16xf32>,
    }
    %scan3A_59 = arith.constant 80 : i32
    %scan3A_60 = arith.constant 0 : i32
    %scan3A_61 = arith.constant 0 : i32
    %scan3A_62 = arith.constant 8 : i32
    %scan3A_63 = arith.addi %scan3A_61, %scan3A_62 : i32
    %scan3A_64 = arith.constant 1 : i32
    scf.for %scan3A_82 = %scan3A_61 to %scan3A_63 step %scan3A_64  : i32 {
      %mul3A_83 = arith.constant 16 : i32
      %mul3A_84 = arith.muli %scan3A_82, %mul3A_83 : i32
      %add3A_85 = arith.addi %mul3A_84, %arg1 : i32
      %lt3A = arith.constant 125 : i32
      %lt3A_86 = arith.cmpi slt, %add3A_85, %lt3A : i32
      %convert_element_type3A = arith.extui %lt3A_86 : i1 to i32
      %cond3A = arith.constant 0 : i32
      %cond3A_87 = arith.cmpi ne, %convert_element_type3A, %cond3A : i32
      scf.if %cond3A_87 {
        %mul3A_88 = arith.constant 80 : i32
        %mul3A_89 = arith.muli %add3A_85, %mul3A_88 : i32
        "tpu.region"() ({
          %run_scoped3A = tpu.sem_alloc : memref<!tpu.dma_semaphore, #tpu.memory_space<semaphore_mem>>
          %dma_start3A_90 = arith.constant 0 : i32
          %dma_start3A_91 = tpu.memref_slice %arg19[%mul3A_89, %dma_start3A_90] : memref<10000x128xf32, #tpu.memory_space<vmem_shared>> -> memref<80x128xf32, #tpu.memory_space<vmem_shared>>
          %dma_start3A_92 = arith.constant 0 : i32
          %dma_start3A_93 = tpu.memref_slice %arg19[%mul3A_89, %dma_start3A_92] : memref<10000x128xf32, #tpu.memory_space<vmem_shared>> -> memref<80x128xf32, #tpu.memory_space<vmem_shared>>
          tpu.enqueue_dma source(%arg15 : memref<80x128xf32, #tpu.memory_space<vmem>>) target(%dma_start3A_93 : memref<80x128xf32, #tpu.memory_space<vmem_shared>>) target_semaphore(%run_scoped3A : memref<!tpu.dma_semaphore, #tpu.memory_space<semaphore_mem>>)
          %dma_wait3A_94 = arith.constant 0 : i32
          %dma_wait3A_95 = tpu.memref_slice %arg19[%mul3A_89, %dma_wait3A_94] : memref<10000x128xf32, #tpu.memory_space<vmem_shared>> -> memref<80x128xf32, #tpu.memory_space<vmem_shared>>
          %dma_wait3A_96 = arith.constant 0 : i32
          %dma_wait3A_97 = tpu.memref_slice %arg19[%mul3A_89, %dma_wait3A_96] : memref<10000x128xf32, #tpu.memory_space<vmem_shared>> -> memref<80x128xf32, #tpu.memory_space<vmem_shared>>
          tpu.wait_dma2 semaphore(%run_scoped3A : memref<!tpu.dma_semaphore, #tpu.memory_space<semaphore_mem>>) src(%arg15 : memref<80x128xf32, #tpu.memory_space<vmem>>) dst(%dma_wait3A_97 : memref<80x128xf32, #tpu.memory_space<vmem_shared>>)
          tpu.yield
        }) : () -> ()
      } else {
      }
    }
    %scan3A_65 = arith.constant 8 : i32
    %barrier3A_66 = arith.constant 0 : index
    tpu.barrier barrier_id(%barrier3A_66)
    %scan3A_67 = arith.constant 0 : i32
    %scan3A_68 = arith.constant 0 : i32
    %scan3A_69 = arith.constant 31 : i32
    %scan3A_70 = arith.addi %scan3A_68, %scan3A_69 : i32
    %scan3A_71 = arith.constant 1 : i32
    scf.for %scan3A_82 = %scan3A_68 to %scan3A_70 step %scan3A_71  : i32 {
      %mul3A_83 = arith.constant 4 : i32
      %mul3A_84 = arith.muli %scan3A_82, %mul3A_83 : i32
      %add3A_85 = arith.constant 0 : i32
      %add3A_86 = arith.addi %mul3A_84, %add3A_85 : i32
      %mul3A_87 = arith.constant 80 : i32
      %mul3A_88 = arith.muli %add3A_86, %mul3A_87 : i32
      %add3A_89 = arith.addi %mul3A_16, %mul3A_88 : i32
      "tpu.region"() ({
        %run_scoped3A = tpu.sem_alloc : memref<!tpu.dma_semaphore, #tpu.memory_space<semaphore_mem>>
        %dma_start3A_135 = tpu.memref_slice %arg4[%add3A_89] : memref<320000xi32, #tpu.memory_space<hbm>> -> memref<80xi32, #tpu.memory_space<hbm>>
        %dma_start3A_136 = tpu.memref_slice %arg4[%add3A_89] : memref<320000xi32, #tpu.memory_space<hbm>> -> memref<80xi32, #tpu.memory_space<hbm>>
        tpu.enqueue_dma source(%dma_start3A_136 : memref<80xi32, #tpu.memory_space<hbm>>) target(%arg11 : memref<80xi32, #tpu.memory_space<vmem>>) target_semaphore(%run_scoped3A : memref<!tpu.dma_semaphore, #tpu.memory_space<semaphore_mem>>)
        %dma_wait3A_137 = tpu.memref_slice %arg4[%add3A_89] : memref<320000xi32, #tpu.memory_space<hbm>> -> memref<80xi32, #tpu.memory_space<hbm>>
        %dma_wait3A_138 = tpu.memref_slice %arg4[%add3A_89] : memref<320000xi32, #tpu.memory_space<hbm>> -> memref<80xi32, #tpu.memory_space<hbm>>
        tpu.wait_dma2 semaphore(%run_scoped3A : memref<!tpu.dma_semaphore, #tpu.memory_space<semaphore_mem>>) src(%dma_wait3A_138 : memref<80xi32, #tpu.memory_space<hbm>>) dst(%arg11 : memref<80xi32, #tpu.memory_space<vmem>>)
        tpu.yield
      }) : () -> ()
      %dma_start3A_90 = arith.constant 0 : i32
      %dma_start3A_91 = arith.constant 0 : i32
      %dma_start3A_92 = tpu.memref_slice %arg19[%dma_start3A_90, %dma_start3A_91] : memref<10000x128xf32, #tpu.memory_space<vmem_shared>> -> memref<10000x128xf32, #tpu.memory_space<vmem_shared>>
      tpu.enqueue_indirect_dma source(%arg16 : memref<80x128xf32, #tpu.memory_space<vmem>>) target(%dma_start3A_92 : memref<10000x128xf32, #tpu.memory_space<vmem_shared>>) offsets(%arg11 : memref<80xi32, #tpu.memory_space<vmem>>) semaphore(%arg20 : memref<!tpu.dma_semaphore, #tpu.memory_space<semaphore_mem>>) {add = true}
      %mul3A_93 = arith.constant 4 : i32
      %mul3A_94 = arith.muli %scan3A_82, %mul3A_93 : i32
      %add3A_95 = arith.constant 1 : i32
      %add3A_96 = arith.addi %mul3A_94, %add3A_95 : i32
      %mul3A_97 = arith.constant 80 : i32
      %mul3A_98 = arith.muli %add3A_96, %mul3A_97 : i32
      %add3A_99 = arith.addi %mul3A_16, %mul3A_98 : i32
      "tpu.region"() ({
        %run_scoped3A = tpu.sem_alloc : memref<!tpu.dma_semaphore, #tpu.memory_space<semaphore_mem>>
        %dma_start3A_135 = tpu.memref_slice %arg4[%add3A_99] : memref<320000xi32, #tpu.memory_space<hbm>> -> memref<80xi32, #tpu.memory_space<hbm>>
        %dma_start3A_136 = tpu.memref_slice %arg4[%add3A_99] : memref<320000xi32, #tpu.memory_space<hbm>> -> memref<80xi32, #tpu.memory_space<hbm>>
        tpu.enqueue_dma source(%dma_start3A_136 : memref<80xi32, #tpu.memory_space<hbm>>) target(%arg12 : memref<80xi32, #tpu.memory_space<vmem>>) target_semaphore(%run_scoped3A : memref<!tpu.dma_semaphore, #tpu.memory_space<semaphore_mem>>)
        %dma_wait3A_137 = tpu.memref_slice %arg4[%add3A_99] : memref<320000xi32, #tpu.memory_space<hbm>> -> memref<80xi32, #tpu.memory_space<hbm>>
        %dma_wait3A_138 = tpu.memref_slice %arg4[%add3A_99] : memref<320000xi32, #tpu.memory_space<hbm>> -> memref<80xi32, #tpu.memory_space<hbm>>
        tpu.wait_dma2 semaphore(%run_scoped3A : memref<!tpu.dma_semaphore, #tpu.memory_space<semaphore_mem>>) src(%dma_wait3A_138 : memref<80xi32, #tpu.memory_space<hbm>>) dst(%arg12 : memref<80xi32, #tpu.memory_space<vmem>>)
        tpu.yield
      }) : () -> ()
      %dma_start3A_100 = arith.constant 0 : i32
      %dma_start3A_101 = arith.constant 0 : i32
      %dma_start3A_102 = tpu.memref_slice %arg19[%dma_start3A_100, %dma_start3A_101] : memref<10000x128xf32, #tpu.memory_space<vmem_shared>> -> memref<10000x128xf32, #tpu.memory_space<vmem_shared>>
      tpu.enqueue_indirect_dma source(%arg16 : memref<80x128xf32, #tpu.memory_space<vmem>>) target(%dma_start3A_102 : memref<10000x128xf32, #tpu.memory_space<vmem_shared>>) offsets(%arg12 : memref<80xi32, #tpu.memory_space<vmem>>) semaphore(%arg21 : memref<!tpu.dma_semaphore, #tpu.memory_space<semaphore_mem>>) {add = true}
      %mul3A_103 = arith.constant 4 : i32
      %mul3A_104 = arith.muli %scan3A_82, %mul3A_103 : i32
      %add3A_105 = arith.constant 2 : i32
      %add3A_106 = arith.addi %mul3A_104, %add3A_105 : i32
      %mul3A_107 = arith.constant 80 : i32
      %mul3A_108 = arith.muli %add3A_106, %mul3A_107 : i32
      %add3A_109 = arith.addi %mul3A_16, %mul3A_108 : i32
      "tpu.region"() ({
        %run_scoped3A = tpu.sem_alloc : memref<!tpu.dma_semaphore, #tpu.memory_space<semaphore_mem>>
        %dma_start3A_135 = tpu.memref_slice %arg4[%add3A_109] : memref<320000xi32, #tpu.memory_space<hbm>> -> memref<80xi32, #tpu.memory_space<hbm>>
        %dma_start3A_136 = tpu.memref_slice %arg4[%add3A_109] : memref<320000xi32, #tpu.memory_space<hbm>> -> memref<80xi32, #tpu.memory_space<hbm>>
        tpu.enqueue_dma source(%dma_start3A_136 : memref<80xi32, #tpu.memory_space<hbm>>) target(%arg13 : memref<80xi32, #tpu.memory_space<vmem>>) target_semaphore(%run_scoped3A : memref<!tpu.dma_semaphore, #tpu.memory_space<semaphore_mem>>)
        %dma_wait3A_137 = tpu.memref_slice %arg4[%add3A_109] : memref<320000xi32, #tpu.memory_space<hbm>> -> memref<80xi32, #tpu.memory_space<hbm>>
        %dma_wait3A_138 = tpu.memref_slice %arg4[%add3A_109] : memref<320000xi32, #tpu.memory_space<hbm>> -> memref<80xi32, #tpu.memory_space<hbm>>
        tpu.wait_dma2 semaphore(%run_scoped3A : memref<!tpu.dma_semaphore, #tpu.memory_space<semaphore_mem>>) src(%dma_wait3A_138 : memref<80xi32, #tpu.memory_space<hbm>>) dst(%arg13 : memref<80xi32, #tpu.memory_space<vmem>>)
        tpu.yield
      }) : () -> ()
      %dma_start3A_110 = arith.constant 0 : i32
      %dma_start3A_111 = arith.constant 0 : i32
      %dma_start3A_112 = tpu.memref_slice %arg19[%dma_start3A_110, %dma_start3A_111] : memref<10000x128xf32, #tpu.memory_space<vmem_shared>> -> memref<10000x128xf32, #tpu.memory_space<vmem_shared>>
      tpu.enqueue_indirect_dma source(%arg16 : memref<80x128xf32, #tpu.memory_space<vmem>>) target(%dma_start3A_112 : memref<10000x128xf32, #tpu.memory_space<vmem_shared>>) offsets(%arg13 : memref<80xi32, #tpu.memory_space<vmem>>) semaphore(%arg22 : memref<!tpu.dma_semaphore, #tpu.memory_space<semaphore_mem>>) {add = true}
      %mul3A_113 = arith.constant 4 : i32
      %mul3A_114 = arith.muli %scan3A_82, %mul3A_113 : i32
      %add3A_115 = arith.constant 3 : i32
      %add3A_116 = arith.addi %mul3A_114, %add3A_115 : i32
      %mul3A_117 = arith.constant 80 : i32
      %mul3A_118 = arith.muli %add3A_116, %mul3A_117 : i32
      %add3A_119 = arith.addi %mul3A_16, %mul3A_118 : i32
      "tpu.region"() ({
        %run_scoped3A = tpu.sem_alloc : memref<!tpu.dma_semaphore, #tpu.memory_space<semaphore_mem>>
        %dma_start3A_135 = tpu.memref_slice %arg4[%add3A_119] : memref<320000xi32, #tpu.memory_space<hbm>> -> memref<80xi32, #tpu.memory_space<hbm>>
        %dma_start3A_136 = tpu.memref_slice %arg4[%add3A_119] : memref<320000xi32, #tpu.memory_space<hbm>> -> memref<80xi32, #tpu.memory_space<hbm>>
        tpu.enqueue_dma source(%dma_start3A_136 : memref<80xi32, #tpu.memory_space<hbm>>) target(%arg14 : memref<80xi32, #tpu.memory_space<vmem>>) target_semaphore(%run_scoped3A : memref<!tpu.dma_semaphore, #tpu.memory_space<semaphore_mem>>)
        %dma_wait3A_137 = tpu.memref_slice %arg4[%add3A_119] : memref<320000xi32, #tpu.memory_space<hbm>> -> memref<80xi32, #tpu.memory_space<hbm>>
        %dma_wait3A_138 = tpu.memref_slice %arg4[%add3A_119] : memref<320000xi32, #tpu.memory_space<hbm>> -> memref<80xi32, #tpu.memory_space<hbm>>
        tpu.wait_dma2 semaphore(%run_scoped3A : memref<!tpu.dma_semaphore, #tpu.memory_space<semaphore_mem>>) src(%dma_wait3A_138 : memref<80xi32, #tpu.memory_space<hbm>>) dst(%arg14 : memref<80xi32, #tpu.memory_space<vmem>>)
        tpu.yield
      }) : () -> ()
      %dma_start3A_120 = arith.constant 0 : i32
      %dma_start3A_121 = arith.constant 0 : i32
      %dma_start3A_122 = tpu.memref_slice %arg19[%dma_start3A_120, %dma_start3A_121] : memref<10000x128xf32, #tpu.memory_space<vmem_shared>> -> memref<10000x128xf32, #tpu.memory_space<vmem_shared>>
      tpu.enqueue_indirect_dma source(%arg16 : memref<80x128xf32, #tpu.memory_space<vmem>>) target(%dma_start3A_122 : memref<10000x128xf32, #tpu.memory_space<vmem_shared>>) offsets(%arg14 : memref<80xi32, #tpu.memory_space<vmem>>) semaphore(%arg23 : memref<!tpu.dma_semaphore, #tpu.memory_space<semaphore_mem>>) {add = true}
      %dma_wait3A_123 = arith.constant 0 : i32
      %dma_wait3A_124 = arith.constant 0 : i32
      %dma_wait3A_125 = tpu.memref_slice %arg19[%dma_wait3A_123, %dma_wait3A_124] : memref<10000x128xf32, #tpu.memory_space<vmem_shared>> -> memref<10000x128xf32, #tpu.memory_space<vmem_shared>>
      tpu.wait_indirect_dma semaphore(%arg20 : memref<!tpu.dma_semaphore, #tpu.memory_space<semaphore_mem>>) src(%arg16 : memref<80x128xf32, #tpu.memory_space<vmem>>) dst(%dma_wait3A_125 : memref<10000x128xf32, #tpu.memory_space<vmem_shared>>)
      %dma_wait3A_126 = arith.constant 0 : i32
      %dma_wait3A_127 = arith.constant 0 : i32
      %dma_wait3A_128 = tpu.memref_slice %arg19[%dma_wait3A_126, %dma_wait3A_127] : memref<10000x128xf32, #tpu.memory_space<vmem_shared>> -> memref<10000x128xf32, #tpu.memory_space<vmem_shared>>
      tpu.wait_indirect_dma semaphore(%arg21 : memref<!tpu.dma_semaphore, #tpu.memory_space<semaphore_mem>>) src(%arg16 : memref<80x128xf32, #tpu.memory_space<vmem>>) dst(%dma_wait3A_128 : memref<10000x128xf32, #tpu.memory_space<vmem_shared>>)
      %dma_wait3A_129 = arith.constant 0 : i32
      %dma_wait3A_130 = arith.constant 0 : i32
      %dma_wait3A_131 = tpu.memref_slice %arg19[%dma_wait3A_129, %dma_wait3A_130] : memref<10000x128xf32, #tpu.memory_space<vmem_shared>> -> memref<10000x128xf32, #tpu.memory_space<vmem_shared>>
      tpu.wait_indirect_dma semaphore(%arg22 : memref<!tpu.dma_semaphore, #tpu.memory_space<semaphore_mem>>) src(%arg16 : memref<80x128xf32, #tpu.memory_space<vmem>>) dst(%dma_wait3A_131 : memref<10000x128xf32, #tpu.memory_space<vmem_shared>>)
      %dma_wait3A_132 = arith.constant 0 : i32
      %dma_wait3A_133 = arith.constant 0 : i32
      %dma_wait3A_134 = tpu.memref_slice %arg19[%dma_wait3A_132, %dma_wait3A_133] : memref<10000x128xf32, #tpu.memory_space<vmem_shared>> -> memref<10000x128xf32, #tpu.memory_space<vmem_shared>>
      tpu.wait_indirect_dma semaphore(%arg23 : memref<!tpu.dma_semaphore, #tpu.memory_space<semaphore_mem>>) src(%arg16 : memref<80x128xf32, #tpu.memory_space<vmem>>) dst(%dma_wait3A_134 : memref<10000x128xf32, #tpu.memory_space<vmem_shared>>)
    }
    %scan3A_72 = arith.constant 31 : i32
    %add3A_73 = arith.constant 9920 : i32
    %add3A_74 = arith.addi %mul3A_16, %add3A_73 : i32
    "tpu.region"() ({
      %run_scoped3A = tpu.sem_alloc : memref<!tpu.dma_semaphore, #tpu.memory_space<semaphore_mem>>
      %dma_start3A_82 = tpu.memref_slice %arg4[%add3A_74] : memref<320000xi32, #tpu.memory_space<hbm>> -> memref<80xi32, #tpu.memory_space<hbm>>
      %dma_start3A_83 = tpu.memref_slice %arg4[%add3A_74] : memref<320000xi32, #tpu.memory_space<hbm>> -> memref<80xi32, #tpu.memory_space<hbm>>
      tpu.enqueue_dma source(%dma_start3A_83 : memref<80xi32, #tpu.memory_space<hbm>>) target(%arg11 : memref<80xi32, #tpu.memory_space<vmem>>) target_semaphore(%run_scoped3A : memref<!tpu.dma_semaphore, #tpu.memory_space<semaphore_mem>>)
      %dma_wait3A_84 = tpu.memref_slice %arg4[%add3A_74] : memref<320000xi32, #tpu.memory_space<hbm>> -> memref<80xi32, #tpu.memory_space<hbm>>
      %dma_wait3A_85 = tpu.memref_slice %arg4[%add3A_74] : memref<320000xi32, #tpu.memory_space<hbm>> -> memref<80xi32, #tpu.memory_space<hbm>>
      tpu.wait_dma2 semaphore(%run_scoped3A : memref<!tpu.dma_semaphore, #tpu.memory_space<semaphore_mem>>) src(%dma_wait3A_85 : memref<80xi32, #tpu.memory_space<hbm>>) dst(%arg11 : memref<80xi32, #tpu.memory_space<vmem>>)
      tpu.yield
    }) : () -> ()
    "tpu.region"() ({
      %run_scoped3A = tpu.sem_alloc : memref<!tpu.dma_semaphore, #tpu.memory_space<semaphore_mem>>
      %dma_start3A_82 = arith.constant 0 : i32
      %dma_start3A_83 = arith.constant 0 : i32
      %dma_start3A_84 = tpu.memref_slice %arg19[%dma_start3A_82, %dma_start3A_83] : memref<10000x128xf32, #tpu.memory_space<vmem_shared>> -> memref<10000x128xf32, #tpu.memory_space<vmem_shared>>
      tpu.enqueue_indirect_dma source(%arg16 : memref<80x128xf32, #tpu.memory_space<vmem>>) target(%dma_start3A_84 : memref<10000x128xf32, #tpu.memory_space<vmem_shared>>) offsets(%arg11 : memref<80xi32, #tpu.memory_space<vmem>>) semaphore(%run_scoped3A : memref<!tpu.dma_semaphore, #tpu.memory_space<semaphore_mem>>) {add = true}
      %dma_wait3A_85 = arith.constant 0 : i32
      %dma_wait3A_86 = arith.constant 0 : i32
      %dma_wait3A_87 = tpu.memref_slice %arg19[%dma_wait3A_85, %dma_wait3A_86] : memref<10000x128xf32, #tpu.memory_space<vmem_shared>> -> memref<10000x128xf32, #tpu.memory_space<vmem_shared>>
      tpu.wait_indirect_dma semaphore(%run_scoped3A : memref<!tpu.dma_semaphore, #tpu.memory_space<semaphore_mem>>) src(%arg16 : memref<80x128xf32, #tpu.memory_space<vmem>>) dst(%dma_wait3A_87 : memref<10000x128xf32, #tpu.memory_space<vmem_shared>>)
      tpu.yield
    }) : () -> ()
    %barrier3A_75 = arith.constant 0 : index
    tpu.barrier barrier_id(%barrier3A_75)
    %scan3A_76 = arith.constant 0 : i32
    %scan3A_77 = arith.constant 0 : i32
    %scan3A_78 = arith.constant 8 : i32
    %scan3A_79 = arith.addi %scan3A_77, %scan3A_78 : i32
    %scan3A_80 = arith.constant 1 : i32
    scf.for %scan3A_82 = %scan3A_77 to %scan3A_79 step %scan3A_80  : i32 {
      %mul3A_83 = arith.constant 16 : i32
      %mul3A_84 = arith.muli %scan3A_82, %mul3A_83 : i32
      %add3A_85 = arith.addi %mul3A_84, %arg1 : i32
      %lt3A = arith.constant 125 : i32
      %lt3A_86 = arith.cmpi slt, %add3A_85, %lt3A : i32
      %convert_element_type3A = arith.extui %lt3A_86 : i1 to i32
      %cond3A = arith.constant 0 : i32
      %cond3A_87 = arith.cmpi ne, %convert_element_type3A, %cond3A : i32
      scf.if %cond3A_87 {
        %mul3A_88 = arith.constant 80 : i32
        %mul3A_89 = arith.muli %add3A_85, %mul3A_88 : i32
        "tpu.region"() ({
          %run_scoped3A = tpu.sem_alloc : memref<!tpu.dma_semaphore, #tpu.memory_space<semaphore_mem>>
          %dma_start3A_90 = arith.constant 0 : i32
          %dma_start3A_91 = tpu.memref_slice %arg6[%arg0, %mul3A_89, %dma_start3A_90] : memref<2x10000x128xf32, #tpu.memory_space<hbm>> -> memref<1x80x128xf32, #tpu.memory_space<hbm>>
          %dma_start3A_92 = tpu.memref_squeeze %dma_start3A_91 : memref<1x80x128xf32, #tpu.memory_space<hbm>> -> memref<80x128xf32, #tpu.memory_space<hbm>>
          %dma_start3A_93 = arith.constant 0 : i32
          %dma_start3A_94 = tpu.memref_slice %arg19[%mul3A_89, %dma_start3A_93] : memref<10000x128xf32, #tpu.memory_space<vmem_shared>> -> memref<80x128xf32, #tpu.memory_space<vmem_shared>>
          tpu.enqueue_dma source(%dma_start3A_94 : memref<80x128xf32, #tpu.memory_space<vmem_shared>>) target(%dma_start3A_92 : memref<80x128xf32, #tpu.memory_space<hbm>>) target_semaphore(%run_scoped3A : memref<!tpu.dma_semaphore, #tpu.memory_space<semaphore_mem>>)
          %dma_wait3A_95 = arith.constant 0 : i32
          %dma_wait3A_96 = tpu.memref_slice %arg6[%arg0, %mul3A_89, %dma_wait3A_95] : memref<2x10000x128xf32, #tpu.memory_space<hbm>> -> memref<1x80x128xf32, #tpu.memory_space<hbm>>
          %dma_wait3A_97 = tpu.memref_squeeze %dma_wait3A_96 : memref<1x80x128xf32, #tpu.memory_space<hbm>> -> memref<80x128xf32, #tpu.memory_space<hbm>>
          %dma_wait3A_98 = arith.constant 0 : i32
          %dma_wait3A_99 = tpu.memref_slice %arg19[%mul3A_89, %dma_wait3A_98] : memref<10000x128xf32, #tpu.memory_space<vmem_shared>> -> memref<80x128xf32, #tpu.memory_space<vmem_shared>>
          tpu.wait_dma2 semaphore(%run_scoped3A : memref<!tpu.dma_semaphore, #tpu.memory_space<semaphore_mem>>) src(%dma_wait3A_99 : memref<80x128xf32, #tpu.memory_space<vmem_shared>>) dst(%dma_wait3A_97 : memref<80x128xf32, #tpu.memory_space<hbm>>)
          tpu.yield
        }) : () -> ()
      } else {
      }
    }
    %scan3A_81 = arith.constant 8 : i32
    return
  }
}

module attributes {stable_mosaic.version = 14 : i64} {
  func.func @body(%arg0: i32, %arg1: memref<1000x128xf32, #tpu.memory_space<vmem>>, %arg2: memref<1000x128xf32, #tpu.memory_space<vmem>>, %arg3: memref<1000x128xf32, #tpu.memory_space<vmem>>, %arg4: memref<1000x128xf32, #tpu.memory_space<vmem>>, %arg5: memref<1000x128xf32, #tpu.memory_space<vmem>>, %arg6: memref<128x128xf32, #tpu.memory_space<vmem>>, %arg7: memref<128x128xf32, #tpu.memory_space<vmem>>, %arg8: memref<1x128xf32, #tpu.memory_space<vmem>>, %arg9: memref<1000x128xf32, #tpu.memory_space<vmem>>) attributes {dimension_semantics = [#tpu.dimension_semantics<arbitrary>], iteration_bounds = array<i64: 10>, scalar_prefetch = 0 : i64, scratch_operands = 0 : i64, tpu.core_type = #tpu.core_type<tc>, window_params = [{transform_indices = @transform_0, window_bounds = array<i64: 1000, 128>}, {transform_indices = @transform_1, window_bounds = array<i64: 1000, 128>}, {transform_indices = @transform_2, window_bounds = array<i64: 1000, 128>}, {transform_indices = @transform_3, window_bounds = array<i64: 1000, 128>}, {transform_indices = @transform_4, window_bounds = array<i64: 1000, 128>}, {pipeline_mode = #tpu.pipeline_mode<synchronous>, transform_indices = @transform_5, window_bounds = array<i64: 128, 128>}, {pipeline_mode = #tpu.pipeline_mode<synchronous>, transform_indices = @transform_6, window_bounds = array<i64: 128, 128>}, {pipeline_mode = #tpu.pipeline_mode<synchronous>, transform_indices = @transform_7, window_bounds = array<i64: 1, 128>}, {transform_indices = @transform_8, window_bounds = array<i64: 1000, 128>}]} {
    %get3A = arith.constant 0 : index
    %get3A_0 = arith.constant 0 : index
    %get3A_1 = vector.load %arg1[%get3A, %get3A_0] : memref<1000x128xf32, #tpu.memory_space<vmem>>, vector<1000x128xf32>
    %get3A_2 = arith.constant 0 : index
    %get3A_3 = arith.constant 0 : index
    %get3A_4 = vector.load %arg2[%get3A_2, %get3A_3] : memref<1000x128xf32, #tpu.memory_space<vmem>>, vector<1000x128xf32>
    %add3A = arith.addf %get3A_1, %get3A_4 : vector<1000x128xf32>
    %get3A_5 = arith.constant 0 : index
    %get3A_6 = arith.constant 0 : index
    %get3A_7 = vector.load %arg3[%get3A_5, %get3A_6] : memref<1000x128xf32, #tpu.memory_space<vmem>>, vector<1000x128xf32>
    %get3A_8 = arith.constant 0 : index
    %get3A_9 = arith.constant 0 : index
    %get3A_10 = vector.load %arg4[%get3A_8, %get3A_9] : memref<1000x128xf32, #tpu.memory_space<vmem>>, vector<1000x128xf32>
    %add3A_11 = arith.addf %get3A_7, %get3A_10 : vector<1000x128xf32>
    %slice3A = vector.extract_strided_slice %add3A_11 {offsets = [0, 0], sizes = [1000, 1], strides = [1, 1]} : vector<1000x128xf32> to vector<1000x1xf32>
    %max3A = arith.constant 1.000000e+00 : f32
    %max3A_12 = vector.broadcast %max3A : f32 to vector<1000x1xf32>
    %max3A_13 = arith.maximumf %slice3A, %max3A_12 : vector<1000x1xf32>
    %div3A = vector.broadcast %max3A_13 : vector<1000x1xf32> to vector<1000x128xf32>
    %div3A_14 = arith.divf %add3A, %div3A : vector<1000x128xf32>
    %get3A_15 = arith.constant 0 : index
    %get3A_16 = arith.constant 0 : index
    %get3A_17 = vector.load %arg6[%get3A_15, %get3A_16] : memref<128x128xf32, #tpu.memory_space<vmem>>, vector<128x128xf32>
    %dot_general3A = arith.constant dense<0.000000e+00> : vector<1000x128xf32>
    %dot_general3A_18 = tpu.matmul %div3A_14, %get3A_17, %dot_general3A {dimension_numbers = #tpu.dot_dimension_numbers<[1], [0], [0], [1], [0, 0, 1, 1], [], []>, transpose_lhs_hint = false} : vector<1000x128xf32>, vector<128x128xf32>, vector<1000x128xf32> -> vector<1000x128xf32>
    %get3A_19 = arith.constant 0 : index
    %get3A_20 = arith.constant 0 : index
    %get3A_21 = vector.load %arg5[%get3A_19, %get3A_20] : memref<1000x128xf32, #tpu.memory_space<vmem>>, vector<1000x128xf32>
    %get3A_22 = arith.constant 0 : index
    %get3A_23 = arith.constant 0 : index
    %get3A_24 = vector.load %arg7[%get3A_22, %get3A_23] : memref<128x128xf32, #tpu.memory_space<vmem>>, vector<128x128xf32>
    %dot_general3A_25 = arith.constant dense<0.000000e+00> : vector<1000x128xf32>
    %dot_general3A_26 = tpu.matmul %get3A_21, %get3A_24, %dot_general3A_25 {dimension_numbers = #tpu.dot_dimension_numbers<[1], [0], [0], [1], [0, 0, 1, 1], [], []>, transpose_lhs_hint = false} : vector<1000x128xf32>, vector<128x128xf32>, vector<1000x128xf32> -> vector<1000x128xf32>
    %add3A_27 = arith.addf %dot_general3A_18, %dot_general3A_26 : vector<1000x128xf32>
    %get3A_28 = arith.constant 0 : index
    %get3A_29 = arith.constant 0 : index
    %get3A_30 = vector.load %arg8[%get3A_28, %get3A_29] : memref<1x128xf32, #tpu.memory_space<vmem>>, vector<1x128xf32>
    %add3A_31 = vector.broadcast %get3A_30 : vector<1x128xf32> to vector<1000x128xf32>
    %add3A_32 = arith.addf %add3A_27, %add3A_31 : vector<1000x128xf32>
    %swap3A = arith.constant 0 : index
    %swap3A_33 = arith.constant 0 : index
    %swap3A_34 = vector.load %arg9[%swap3A, %swap3A_33] : memref<1000x128xf32, #tpu.memory_space<vmem>>, vector<1000x128xf32>
    tpu.vector_store %arg9[%swap3A, %swap3A_33], %add3A_32 {strides = array<i32>} : memref<1000x128xf32, #tpu.memory_space<vmem>>, vector<1000x128xf32>,
    return
  }
  func.func @transform_0(%arg0: i32) -> (i32, i32) {
    %c0_i32 = arith.constant 0 : i32
    %c0_i32_0 = arith.constant 0 : i32
    return %arg0, %c0_i32 : i32, i32
  }
  func.func @transform_1(%arg0: i32) -> (i32, i32) {
    %c0_i32 = arith.constant 0 : i32
    %c0_i32_0 = arith.constant 0 : i32
    return %arg0, %c0_i32 : i32, i32
  }
  func.func @transform_2(%arg0: i32) -> (i32, i32) {
    %c0_i32 = arith.constant 0 : i32
    %c0_i32_0 = arith.constant 0 : i32
    return %arg0, %c0_i32 : i32, i32
  }
  func.func @transform_3(%arg0: i32) -> (i32, i32) {
    %c0_i32 = arith.constant 0 : i32
    %c0_i32_0 = arith.constant 0 : i32
    return %arg0, %c0_i32 : i32, i32
  }
  func.func @transform_4(%arg0: i32) -> (i32, i32) {
    %c0_i32 = arith.constant 0 : i32
    %c0_i32_0 = arith.constant 0 : i32
    return %arg0, %c0_i32 : i32, i32
  }
  func.func @transform_5(%arg0: i32) -> (i32, i32) {
    %c0_i32 = arith.constant 0 : i32
    %c0_i32_0 = arith.constant 0 : i32
    %c0_i32_1 = arith.constant 0 : i32
    return %c0_i32, %c0_i32_0 : i32, i32
  }
  func.func @transform_6(%arg0: i32) -> (i32, i32) {
    %c0_i32 = arith.constant 0 : i32
    %c0_i32_0 = arith.constant 0 : i32
    %c0_i32_1 = arith.constant 0 : i32
    return %c0_i32, %c0_i32_0 : i32, i32
  }
  func.func @transform_7(%arg0: i32) -> (i32, i32) {
    %c0_i32 = arith.constant 0 : i32
    %c0_i32_0 = arith.constant 0 : i32
    %c0_i32_1 = arith.constant 0 : i32
    return %c0_i32, %c0_i32_0 : i32, i32
  }
  func.func @transform_8(%arg0: i32) -> (i32, i32) {
    %c0_i32 = arith.constant 0 : i32
    %c0_i32_0 = arith.constant 0 : i32
    return %arg0, %c0_i32 : i32, i32
  }
}

</mosaic_0001>

<sc_bundles>
// kernel: kernel.4.cloned.1.call-start
scs
__scs_entry_jumppad:
0x0: {  	(pc) =	sbr.rel $0x88, $3  }
0x1: {  	(tag) =	ssettag $0x0;
	lr =	simm.s32 $0x1  }
0x2: {  	[smem:$0x3F9C] =	sst lr;
	_ =	strace $0xD0000000  }
0x3: {  	_ = 	snop  }
0x4: {  	_ = 	snop  }
0x5: {  	_ = 	snop  }
0x6: {  	_ = 	snop  }
0x7: {  	_ = 	snop  }
__scs_overlays_trampoline_lowered:
0x8: {  	[smem:$0x3FAB] =	sst s0  }
0x9: {  	[smem:$0x3FAC] =	sst s1  }
0xa: {  	[smem:$0x3FAD] =	sst s2  }
0xb: {  	[smem:$0x3FAE] =	sst s3  }
0xc: {  	[smem:$0x3FAF] =	sst s4  }
0xd: {  	[smem:$0x3FB0] =	sst s5  }
0xe: {  	[smem:$0x3FB1] =	sst s6  }
0xf: {  	[smem:$0x3FB2] =	sst s7  }
0x10: {  	[smem:$0x3FB3] =	sst s8  }
0x11: {  	[smem:$0x3FB4] =	sst s9;
	s0 =	simm.s32 @!p0 $0x0  }
0x12: {  	s1 =	sld [smem:$0x3F9A];
	s0 =	simm.s32 @p0 $0x1  }
0x13: {  	[smem:$0x3FB5] =	sst s0;
	s0 =	simm.s32 @!p1 $0x0  }
0x14: {  	s2 =	sld [smem:$0x3F99];
	s0 =	simm.s32 @p1 $0x1  }
0x15: {  	[smem:$0x3FB6] =	sst s0;
	s0 =	simm.s32 @!p2 $0x0  }
0x16: {  	s3 =	sld [smem:$0x3FDB];
	s0 =	simm.s32 @p2 $0x1  }
0x17: {  	s4 =	simm.s32 $0x1BF5;
	[smem:$0x3FB8] =	sst s0  }
0x18: {  	s0 =	sld [smem:$0x3F9B];
	_ =	swait.ge [sflag:s4], $0x0  }
0x19: {  	s7 =	sld [smem:$0x3F9C]  }
0x1a: {  	s8 =	sadd.s32 $0xFFFFE003, lr  }
0x1b: {  	s9 =	sadd.s32 $0xFFFFFEF7, lr;
	s5 =	simm.s32 $0xFFFFFFFF;
	p2 =	slt.u32 s8, $0xFFFFF086  }
0x1c: {  	p1 =	slt.u32 s9, $0xF7A;
	s5 =	simm.s32 @!p2 $0x0  }
0x1d: {  	s5 =	simm.s32 @p1 $0x1;
	p0 =	seq.s32 s7, s2  }
0x1e: {  	s7 =	smul.u32 @!p0 $0xF7A, s2;
	p2 =	seq.s32 @!p0 s5, $0x0  }
0x1f: {  	s9 =	smul.u32 $0xF7A, s1;
	s8 =	simm.s32 @!p0 $0x1BF5;
	p2 =	por !p2, p0  }
0x20: {  	[sflag:s8] =	ssyncset.s32 @!p0 $0xFFFFF086;
	s6 =	sadd.s32 @!p0 s3, s7;
	s7 =	simm.s32 @!p0 $0x108  }
0x21: {  	s3 =	sadd.s32 s3, s9;
	s6 =	sadd.s32 @!p0 $0x88, s6;
	s7 =	simm.s32 @p2 $0x1082  }
0x22: {  	[simem:s7], [sflag:s8] =	dma.local @!p0 [hbm:s6], $0xF7A  }
0x23: {  	s9 =	sor.u32 $0xD0000000, s2;
	s6 =	simm.s32 $0x108;
	_ =	swait.ge @!p0 [sflag:s8], $0x0  }
0x24: {  	s3 =	sadd.s32 $0x88, s3;
	s6 =	simm.s32 @!p1 $0x1082;
	[sflag:s4] =	ssyncset.s32 $0xFFFFF086  }
0x25: {  	[simem:s6], [sflag:s4] =	dma.local [hbm:s3], $0xF7A  }
0x26: {  	[smem:$0x3F9C] =	sst s1;
	(tag) =	ssettag s2;
	_ =	strace s9  }
0x27: {  	s1 =	sld [smem:$0x3FAC]  }
0x28: {  	s2 =	sld [smem:$0x3FAD]  }
0x29: {  	s4 =	sld [smem:$0x3FAF]  }
0x2a: {  	p0 =	seq.s32 s5, $0x0;
	s5 =	sld [smem:$0x3FB0]  }
0x2b: {  	s6 =	sld [smem:$0x3FB1]  }
0x2c: {  	s7 =	sld [smem:$0x3FB2]  }
0x2d: {  	s3 =	simm.s32 $0x108;
	s8 =	sld [smem:$0x3FB3]  }
0x2e: {  	s3 =	simm.s32 @!p0 $0x1082;
	s9 =	sld [smem:$0x3FB4]  }
0x2f: {  	lr =	sadd.s32 s0, s3;
	s0 =	sld [smem:$0x3FAB]  }
0x30: {  	s3 =	sld [smem:$0x3FAE]  }
0x31: {  	[smem:$0x3FB7] =	sst s10  }
0x32: {  	s10 =	sld [smem:$0x3FB5];
	_ =	sdelay $0x3  }
0x33: {  	p0 =	seq.s32 s10, $0x1;
	s10 =	sld [smem:$0x3FB7];
	_ =	sdelay $0x3  }
0x34: {  	[smem:$0x3FB7] =	sst s10  }
0x35: {  	s10 =	sld [smem:$0x3FB6];
	_ =	sdelay $0x3  }
0x36: {  	p1 =	seq.s32 s10, $0x1;
	s10 =	sld [smem:$0x3FB7];
	_ =	sdelay $0x3  }
0x37: {  	[smem:$0x3FB7] =	sst s10  }
0x38: {  	s10 =	sld [smem:$0x3FB8]  }
0x39: {  	_ = 	snop;
	(pc) =	sbr.ind lr, $3  }
0x3a: {  	_ = 	snop  }
0x3b: {  	_ = 	snop  }
0x3c: {  	p2 =	seq.s32 s10, $0x1;
	s10 =	sld [smem:$0x3FB7]  }
0x3d: {  	_ =	shalt  }
0x3e: {  	_ =	shalt  }
0x3f: {  	_ =	shalt  }
0x40: {  	_ =	shalt  }
0x41: {  	_ =	shalt  }
0x42: {  	_ =	shalt  }
0x43: {  	_ =	shalt  }
0x44: {  	_ =	shalt  }
0x45: {  	_ =	shalt  }
0x46: {  	_ =	shalt  }
0x47: {  	_ =	shalt  }
0x48: {  	_ =	shalt  }
0x49: {  	_ =	shalt  }
0x4a: {  	_ =	shalt  }
0x4b: {  	_ =	shalt  }
0x4c: {  	_ =	shalt  }
0x4d: {  	_ =	shalt  }
0x4e: {  	_ =	shalt  }
0x4f: {  	_ =	shalt  }
0x50: {  	_ =	shalt  }
0x51: {  	_ =	shalt  }
0x52: {  	_ =	shalt  }
0x53: {  	_ =	shalt  }
0x54: {  	_ =	shalt  }
0x55: {  	_ =	shalt  }
0x56: {  	_ =	shalt  }
0x57: {  	_ =	shalt  }
0x58: {  	_ =	shalt  }
0x59: {  	_ =	shalt  }
0x5a: {  	_ =	shalt  }
0x5b: {  	_ =	shalt  }
0x5c: {  	_ =	shalt  }
0x5d: {  	_ =	shalt  }
0x5e: {  	_ =	shalt  }
0x5f: {  	_ =	shalt  }
0x60: {  	_ =	shalt  }
0x61: {  	_ =	shalt  }
0x62: {  	_ =	shalt  }
0x63: {  	_ =	shalt  }
0x64: {  	_ =	shalt  }
0x65: {  	_ =	shalt  }
0x66: {  	_ =	shalt  }
0x67: {  	_ =	shalt  }
0x68: {  	_ =	shalt  }
0x69: {  	_ =	shalt  }
0x6a: {  	_ =	shalt  }
0x6b: {  	_ =	shalt  }
0x6c: {  	_ =	shalt  }
0x6d: {  	_ =	shalt  }
0x6e: {  	_ =	shalt  }
0x6f: {  	_ =	shalt  }
0x70: {  	_ =	shalt  }
0x71: {  	_ =	shalt  }
0x72: {  	_ =	shalt  }
0x73: {  	_ =	shalt  }
0x74: {  	_ =	shalt  }
0x75: {  	_ =	shalt  }
0x76: {  	_ =	shalt  }
0x77: {  	_ =	shalt  }
0x78: {  	_ =	shalt  }
0x79: {  	_ =	shalt  }
0x7a: {  	_ =	shalt  }
0x7b: {  	_ =	shalt  }
0x7c: {  	_ =	shalt  }
0x7d: {  	_ =	shalt  }
0x7e: {  	_ =	shalt  }
0x7f: {  	_ =	shalt  }
0x80: {  	_ =	shalt  }
0x81: {  	_ =	shalt  }
0x82: {  	_ =	shalt  }
0x83: {  	_ =	shalt  }
0x84: {  	_ =	shalt  }
0x85: {  	_ =	shalt  }
0x86: {  	_ =	shalt  }
0x87: {  	_ =	shalt  }
.Lfunc_end0:
.L_simem_size_0:
called_computation_lowered:
.L_overlay_start_0:
0x88: {  	s2 =	sld [smem:$0x3FD9]  }
0x89: {  	s3 =	sld [smem:$0x3FFE];
	_ =	sdelay $0x1  }
0x8a: {  	s1 =	srdreg.scid  }
0x8b: {  	s0 =	sand.u32 $0x1, s1  }
0x8c: {  	s17 =	sshll.u32 s0, $0xA;
	s2 =	sadd.s32 s3, s2  }
0x8d: {  	s2 =	sadd.s32 s2, s17  }
0x8e: {  	[smem:$0x3FC3] =	sst s2  }
0x8f: {  	_ = 	snop  }
0x90: {  	s2 =	sld [smem:$0x3FC9]  }
0x91: {  	s18 =	sld [smem:$0x3FD0];
	(tm) =	ssettm $0x1  }
0x92: {  	s4 =	sld [smem:$0x3FFB];
	_ =	sdelay $0x3  }
0x93: {  	_ =	strace s4  }
0x94: {  	s4 =	sld [smem:$0x3FFC];
	_ =	sdelay $0x3  }
0x95: {  	_ =	strace s4  }
0x96: {  	s4 =	sld [smem:$0x3FFD];
	_ =	sdelay $0x3  }
0x97: {  	_ =	strace s4  }
0x98: {  	_ =	strace $0x8FFFFFFF  }
0x99: {  	s19 =	sld [smem:$0x3FDB];
	_ =	sdelay $0x1  }
0x9a: {  	s5 =	simm.s32 $_scs_section_size  }
0x9b: {  	s6 =	simm.s32 $_size__tile_overlayer_lowered;
	s7 =	simm.s32 $_tile_overlayer_lowered  }
0x9c: {  	s22 =	simm.s32 $0x1BFF;
	s21 =	sshll.u32 s7, $0x1;
	s4 =	sadd.s32 s5, s19  }
0x9d: {  	s8 =	simm.s32 $0x0;
	s20 =	sshll.u32 s6, $0x1;
	s6 =	sadd.s32 s21, s4  }
0x9e: {  	[timem:s8], [sflag:s22] =	dma.local [hbm:s6], s20  }
0x9f: {  	_ =	swait.ge [sflag:s22], s20  }
0xa0: {  	s5 =	ssub.s32 $0x0, s20;
	[sflag:s22] =	ssyncset.done $0x0  }
0xa1: {  	[sflag:s22] =	ssyncadd.s32 s5;
	_ =	sdelay $0x1  }
0xa2: {  	s23 =	simm.s32 $0x1B8B  }
0xa3: {  	_ =	swait.ge [sflag:s23], $0x1  }
0xa4: {  	[sflag:s23] =	ssyncset.done $0x0  }
0xa5: {  	s25 =	simm.s32 $0x1B8E;
	s24 =	sld [smem:$0x3FFE];
	[sflag:s23] =	ssyncadd.s32 $0xFFFFFFFF  }
0xa6: {  	s26 =	simm.s32 $execute0_lowered;
	[smem:$0x3FD2] =	sst s25  }
0xa7: {  	s6 =	sshll.u32 s26, $0x1;
	_ =	strace $0x80000046;
	[dreg:$0x1] =	wrdreg $0xFFFFFFFF  }
0xa8: {  	s28 =	simm.s32 $_size_execute0_lowered;
	s4 =	sadd.s32 s4, s6;
	[dreg:$0x0] =	wrdreg $0x0  }
0xa9: {  	s6 =	sshll.u32 s28, $0x1;
	[dreg:$0x2] =	wrdreg s4  }
0xaa: {  	[dreg:$0x3] =	wrdreg s6  }
0xab: {  	[dreg:$0x4] =	wrdreg $0xC0  }
0xac: {  	_ =	task [dreg:s8], $0x5FFFF  }
0xad: {  	[dreg:$0x1] =	wrdreg $0xFFFFFFFF  }
0xae: {  	[dreg:$0x0] =	wrdreg $0x60  }
0xaf: {  	[dreg:$0x2] =	wrdreg s2  }
0xb0: {  	[dreg:$0x3] =	wrdreg s24  }
0xb1: {  	[dreg:$0x4] =	wrdreg s18  }
0xb2: {  	[dreg:$0x5] =	wrdreg $0xA4000  }
0xb3: {  	[dreg:$0x6] =	wrdreg $0x9  }
0xb4: {  	_ =	task.clear_ibuf [dreg:s8], $0x7FFFF;
	_ =	strace $0x90000046  }
0xb5: {  	s29 =	simm.s32 $0x9;
	_ =	strace $0x80000048  }
0xb6: {  	_ =	swait.ge [sflag:s29], $0x1  }
0xb7: {  	[sflag:s29] =	ssyncadd.s32 $0xFFFFFFFF  }
0xb8: {  	_ =	strace $0x90000048  }
0xb9: {  	_ =	sfence  }
0xba: {  	s30 =	sld [smem:$0x0];
	_ =	sdelay $0x2  }
0xbb: {  	s31 =	sshll.u32 s1, $0xD;
	s1 =	sshrl.u32 s1, $0x2  }
0xbc: {  	s3 =	sand.u32 $0x4000, s31;
	s1 =	sadd.s32 s1, s30  }
0xbd: {  	s0 =	sor.u32 s3, s0;
	s1 =	sshll.u32 s1, $0x11  }
0xbe: {  	s0 =	sor.u32 s1, s0  }
0xbf: {  	s0 =	sadd.s32 $0x8F2B, s0  }
0xc0: {  	[sflag:s0] =	ssyncadd.remote.s32 $0x1  }
0xc1: {  	_ =	sfence.sel $0xFFFF  }
0xc2: {  	[dreg:$0x0] =	wrdreg $0xFFFFFFFF;
	(pc) =	sbr.abs _section_cstart, $3  }
0xc3: {  	[dreg:$0x1] =	wrdreg $0xFFFFFFFF  }
0xc4: {  	_ =	task.clear_ibuf [dreg:s8], $0x2FFFF;
	_ =	strace $0x9FFFFFFF  }
0xc5: {  	(tm) =	ssettm $0x7FFFFFFF  }
tec
execute0_lowered:
.L_overlay_start_1:
0x0: {  	(tag) =	ssettag $0x1  }
0x1: {  	s0 =	srdreg.scid;
	s26 =	stileid.u32  }
0x2: {  	s9 =	sand.u32 $0x1, s0;
	s22 =	smul.u32 $0x2800, s26  }
0x3: {  	s8 =	rddreg [dreg:$0x1];
	s13 =	sor.u32 $0x10, s26;
	s12 =	smul.u32 $0x138800, s9  }
0x4: {  	s29 =	simm.s32 $0x180;
	s7 =	sor.u32 $0x20, s26;
	s14 =	smul.u32 $0x2800, s13  }
0x5: {  	s0 =	simm.s32 $0x0;
	s6 =	sor.u32 $0x30, s26;
	s16 =	smul.u32 $0x2800, s7  }
0x6: {  	s10 =	sadd.s32 $0xA600, s8;
	s5 =	sor.u32 $0x40, s26;
	s17 =	smul.u32 $0x2800, s6  }
0x7: {  	s4 =	sor.u32 $0x50, s26;
	s3 =	sor.u32 $0x60, s26;
	s23 =	smul.u32 $0x2800, s5  }
0x8: {  	s1 =	ssub.s32 $0x2, s9;
	[smem:$0x7FF] =	sst s0;
	s19 =	smul.u32 $0x2800, s4  }
0x9: {  	s21 =	sshll.u32 s9, $0x4;
	s24 =	smul.u32 $0x2800, s3;
	s2 =	sshrl.u32 s1, $0x1  }
0xa: {  	s11 =	sor.u32 s26, s21;
	s2 =	ssub.s32 s1, s2;
	s15 =	sadd.s32 s12, s22  }
0xb: {  	s1 =	sor.u32 $0x70, s26;
	s14 =	sadd.s32 s12, s14;
	s16 =	sadd.s32 s12, s16  }
0xc: {  	s17 =	sadd.s32 s12, s17;
	s19 =	sadd.s32 s12, s19;
	s15 =	sshrl.u32 s15, $0x3  }
0xd: {  	s14 =	sshrl.u32 s14, $0x3;
	s16 =	sshrl.u32 s16, $0x3;
	s18 =	sadd.s32 s10, s15  }
0xe: {  	s25 =	smul.u32 $0x2800, s1;
	s20 =	sadd.s32 s10, s14;
	[dreg:$0x5] =	wrdreg s18  }
0xf: {  	s17 =	sshrl.u32 s17, $0x3;
	s21 =	sadd.s32 s10, s16;
	[dreg:$0x6] =	wrdreg s20  }
0x10: {  	s19 =	sshrl.u32 s19, $0x3;
	s22 =	sadd.s32 s10, s17;
	[dreg:$0x7] =	wrdreg s21  }
0x11: {  	s18 =	sadd.s32 s12, s23;
	s20 =	sadd.s32 s12, s24;
	s12 =	sadd.s32 s12, s25  }
0x12: {  	[dreg:$0x8] =	wrdreg s22;
	s24 =	sadd.s32 s10, s19;
	s18 =	sshrl.u32 s18, $0x3  }
0x13: {  	s20 =	sshrl.u32 s20, $0x3;
	[dreg:$0xa] =	wrdreg s24;
	s23 =	sadd.s32 s10, s18  }
0x14: {  	s12 =	sshrl.u32 s12, $0x3;
	s25 =	sadd.s32 s10, s20;
	[dreg:$0x9] =	wrdreg s23  }
0x15: {  	s28 =	simm.s32 $0x300;
	s10 =	sadd.s32 s10, s12;
	[dreg:$0xb] =	wrdreg s25  }
0x16: {  	s30 =	simm.s32 $0x3;
	[dreg:$0xc] =	wrdreg s10;
	s10 =	sadd.s32 $0x58800, s8  }
0x17: {  	s15 =	sadd.s32 s10, s15;
	s23 =	sadd.s32 s10, s19;
	s19 =	rddreg [dreg:$0x3]  }
0x18: {  	s9 =	smul.u32 $0x27100, s9;
	s14 =	sadd.s32 s10, s14;
	[dreg:$0xd] =	wrdreg s15  }
0x19: {  	s7 =	smul.u32 $0xA000, s7;
	s16 =	sadd.s32 s10, s16;
	[dreg:$0xe] =	wrdreg s14  }
0x1a: {  	s6 =	smul.u32 $0xA000, s6;
	s21 =	sadd.s32 s10, s17;
	[dreg:$0xf] =	wrdreg s16  }
0x1b: {  	s5 =	smul.u32 $0xA000, s5;
	s22 =	sadd.s32 s10, s18;
	[dreg:$0x10] =	wrdreg s21  }
0x1c: {  	s31 =	simm.s32 $0x380;
	s4 =	smul.u32 $0xA000, s4;
	[dreg:$0x11] =	wrdreg s22  }
0x1d: {  	s3 =	smul.u32 $0xA000, s3;
	s5 =	sshrl.u32 s5, $0x2;
	s15 =	rddreg [dreg:$0x0]  }
0x1e: {  	s2 =	smax.u32 s2, $0x1;
	p0 =	sgt.u32 s1, $0x7C;
	[dreg:$0x12] =	wrdreg s23  }
0x1f: {  	s1 =	smul.u32 $0xA000, s1;
	s24 =	sadd.s32 s10, s20;
	s14 =	rddreg [dreg:$0x2]  }
0x20: {  	s25 =	smul.u32 $0x2710, s26;
	s10 =	sadd.s32 s10, s12;
	[dreg:$0x13] =	wrdreg s24  }
0x21: {  	s1 =	sshrl.u32 s1, $0x2;
	s12 =	smul.u32 $0x2710, s11;
	[dreg:$0x14] =	wrdreg s10  }
0x22: {  	s9 =	sadd.s32 s25, s9;
	s16 =	sadd.s32 $0x800, s8;
	s10 =	smul.u32 $0xA000, s13  }
0x23: {  	s5 =	sadd.s32 s5, s19;
	s1 =	sadd.s32 s1, s19;
	_ =	strace $0x80000047  }
0x24: {  	s17 =	sshrl.u32 s12, $0x3;
	s18 =	sadd.s32 $0xF0, s9;
	[dreg:$0x17] =	wrdreg s2  }
0x25: {  	s20 =	sadd.s32 $0xA0, s9;
	s21 =	sadd.s32 $0x50, s9;
	[dreg:$0x1c] =	wrdreg s5  }
0x26: {  	s25 =	sshrl.u32 s9, $0x3;
	[dreg:$0x1f] =	wrdreg s1;
	s8 =	sadd.s32 $0x230, s9  }
0x27: {  	s11 =	sshrl.u32 s18, $0x3;
	s23 =	sshrl.u32 s20, $0x3;
	s24 =	sshrl.u32 s21, $0x3  }
0x28: {  	s25 =	sadd.s32 s25, s14;
	s12 =	sadd.s32 s14, s17;
	s13 =	sadd.s32 s16, s17  }
0x29: {  	s18 =	sshrl.u32 s10, $0x2;
	s20 =	sshrl.u32 s7, $0x2;
	s7 =	sshrl.u32 s3, $0x2  }
0x2a: {  	s1 =	sshrl.u32 s8, $0x3;
	s10 =	sadd.s32 $0x1E0, s9;
	s3 =	simm.s32 $0x0  }
0x2b: {  	s22 =	sadd.s32 s11, s14;
	s23 =	sadd.s32 s23, s14;
	s24 =	sadd.s32 s24, s14  }
0x2c: {  	s14 =	smul.u32 $0xA000, s26;
	s21 =	sadd.s32 $0x4D8, s12;
	s26 =	sshrl.u32 s6, $0x2  }
0x2d: {  	s6 =	sshrl.u32 s4, $0x2;
	s1 =	sadd.s32 s1, s16;
	[dreg:$0x15] =	wrdreg s13  }
0x2e: {  	s11 =	sadd.s32 $0x190, s9;
	s12 =	sshrl.u32 s10, $0x3;
	[smem:$0x7F9] =	sst s1  }
0x2f: {  	s10 =	simm.s32 $0x7C00;
	[dreg:$0x16] =	wrdreg s21;
	s17 =	sshrl.u32 s14, $0x2  }
0x30: {  	s14 =	sshrl.u32 s11, $0x3;
	s11 =	simm.s32 $0x200;
	s2 =	sadd.s32 s17, s19  }
0x31: {  	s8 =	sadd.s32 s14, s16;
	s17 =	sadd.s32 $0x140, s9;
	[dreg:$0x18] =	wrdreg s2  }
0x32: {  	s14 =	simm.s32 $0x5;
	s2 =	sadd.s32 s18, s19;
	[smem:$0x7FA] =	sst s17  }
0x33: {  	s9 =	simm.s32 $0x280;
	s18 =	sadd.s32 $0xA, s13;
	[dreg:$0x19] =	wrdreg s2  }
0x34: {  	s17 =	simm.s32 $0x4;
	s2 =	sadd.s32 s20, s19;
	[smem:$0x7FB] =	sst s18  }
0x35: {  	s20 =	sadd.s32 $0x14, s13;
	[dreg:$0x1a] =	wrdreg s2;
	s2 =	sadd.s32 s26, s19  }
0x36: {  	[smem:$0x7FC] =	sst s20;
	s26 =	sadd.s32 $0x1E, s13;
	s13 =	simm.s32 $0x400  }
0x37: {  	s20 =	simm.s32 $0x2C00;
	[dreg:$0x1b] =	wrdreg s2;
	s2 =	sadd.s32 s6, s19  }
0x38: {  	s6 =	smov.u32 s16;
	[smem:$0x7FD] =	sst s26;
	s26 =	simm.s32 $0x2  }
0x39: {  	[dreg:$0x1d] =	wrdreg s2;
	s2 =	sadd.s32 s7, s19;
	s7 =	sadd.s32 s12, s16  }
0x3a: {  	v0 =	vimm.f32 $0.0e+00;
	v1 =	vimm.f32 $1.000000000e+00;
	s16 =	simm.s32 $0x50;
	s12 =	simm.s32 $0x1;
	[dreg:$0x1e] =	wrdreg s2  }
.LBB2_1:
0x3b: {  	[smem:$0x7F8] =	sst s3;
	s2 =	simm.s32 $0x0;
	s3 =	simm.s32 $0x200  }
.LBB2_2:
0x3c: {  	p1 =	sne.s32 s3, $0x9E00;
	[tilespmem:s2+$0x470] =	vst v0  }
0x3d: {  	[tilespmem:s2+$0x400] =	vst v0  }
0x3e: {  	[tilespmem:s2+$0x410] =	vst v0  }
.Ltmp0:
0x3f: {  	[tilespmem:s2+$0x420] =	vst v0;
	(pc) =	sbr.rel @p1 .LBB2_2-.Ltmp0, $4  }
0x40: {  	[tilespmem:s2+$0x430] =	vst v0  }
0x41: {  	[tilespmem:s2+$0x440] =	vst v0  }
0x42: {  	[tilespmem:s2+$0x450] =	vst v0  }
0x43: {  	[tilespmem:s2+$0x460] =	vst v0;
	s2 =	sshra.s32 s3, $0x2;
	s3 =	sadd.s32 $0x200, s3  }
0x44: {  	[tilespmem:s2+$0x470] =	vst v0  }
0x45: {  	[tilespmem:s2+$0x400] =	vst v0  }
0x46: {  	[tilespmem:s2+$0x410] =	vst v0  }
0x47: {  	[tilespmem:s2+$0x420] =	vst v0  }
0x48: {  	[tilespmem:s2+$0x430] =	vst v0  }
0x49: {  	[tilespmem:s2+$0x440] =	vst v0  }
0x4a: {  	[tilespmem:s2+$0x450] =	vst v0  }
0x4b: {  	[tilespmem:s2+$0x460] =	vst v0;
	s1 =	rddreg [dreg:$0x18]  }
0x4c: {  	[spmem:s1] =	stream.linear.scatter [tilespmem:s13], [sflag:$0x5], $0x2800, $0x38;
	[tilespmem:$0x1DC80] =	vst v63  }
0x4d: {  	_ =	swait.ge [sflag:s14], $0x2800  }
0x4e: {  	[sflag:s14] =	ssyncset.done $0x0  }
0x4f: {  	s18 =	rddreg [dreg:$0x19];
	[sflag:s14] =	ssyncadd.s32 $0xFFFFD800  }
0x50: {  	[spmem:s18] =	stream.linear.scatter [tilespmem:s13], [sflag:$0x5], $0x2800, $0x38;
	[tilespmem:$0x1DC80] =	vst v63  }
0x51: {  	_ =	swait.ge [sflag:s14], $0x2800  }
0x52: {  	[sflag:s14] =	ssyncset.done $0x0  }
0x53: {  	s21 =	rddreg [dreg:$0x1a];
	[sflag:s14] =	ssyncadd.s32 $0xFFFFD800  }
0x54: {  	[spmem:s21] =	stream.linear.scatter [tilespmem:s13], [sflag:$0x5], $0x2800, $0x38;
	[tilespmem:$0x1DC80] =	vst v63  }
0x55: {  	_ =	swait.ge [sflag:s14], $0x2800  }
0x56: {  	[sflag:s14] =	ssyncset.done $0x0  }
0x57: {  	s2 =	rddreg [dreg:$0x1b];
	[sflag:s14] =	ssyncadd.s32 $0xFFFFD800  }
0x58: {  	[spmem:s2] =	stream.linear.scatter [tilespmem:s13], [sflag:$0x5], $0x2800, $0x38;
	[tilespmem:$0x1DC80] =	vst v63  }
0x59: {  	_ =	swait.ge [sflag:s14], $0x2800  }
0x5a: {  	[sflag:s14] =	ssyncset.done $0x0  }
0x5b: {  	s3 =	rddreg [dreg:$0x1c];
	[sflag:s14] =	ssyncadd.s32 $0xFFFFD800  }
0x5c: {  	[spmem:s3] =	stream.linear.scatter [tilespmem:s13], [sflag:$0x5], $0x2800, $0x38;
	[tilespmem:$0x1DC80] =	vst v63  }
0x5d: {  	_ =	swait.ge [sflag:s14], $0x2800  }
0x5e: {  	[sflag:s14] =	ssyncset.done $0x0  }
0x5f: {  	s4 =	rddreg [dreg:$0x1d];
	[sflag:s14] =	ssyncadd.s32 $0xFFFFD800  }
0x60: {  	[spmem:s4] =	stream.linear.scatter [tilespmem:s13], [sflag:$0x5], $0x2800, $0x38;
	[tilespmem:$0x1DC80] =	vst v63  }
0x61: {  	_ =	swait.ge [sflag:s14], $0x2800  }
0x62: {  	[sflag:s14] =	ssyncset.done $0x0  }
0x63: {  	s5 =	rddreg [dreg:$0x1e];
	[sflag:s14] =	ssyncadd.s32 $0xFFFFD800  }
0x64: {  	[spmem:s5] =	stream.linear.scatter [tilespmem:s13], [sflag:$0x5], $0x2800, $0x38;
	[tilespmem:$0x1DC80] =	vst v63  }
0x65: {  	_ =	swait.ge [sflag:s14], $0x2800  }
0x66: {  	[sflag:s14] =	ssyncset.done $0x0  }
0x67: {  	s2 =	simm.s32 @!p0 $0x400;
	s1 =	rddreg [dreg:$0x1f];
	[sflag:s14] =	ssyncadd.s32 $0xFFFFD800  }
0x68: {  	[spmem:s1] =	stream.linear.scatter @!p0 [tilespmem:s2], [sflag:$0x5], $0x2800, $0x38;
	[tilespmem:$0x1DC80] =	vst v63  }
0x69: {  	s2 =	simm.s32 @!p0 $0x5  }
0x6a: {  	_ =	swait.ge @!p0 [sflag:s2], $0x2800  }
0x6b: {  	[sflag:s2] =	ssyncset.done @!p0 $0x0  }
0x6c: {  	[sflag:s2] =	ssyncadd.s32 @!p0 $0xFFFFD800  }
0x6d: {  	[bflag:$0x0] =	sbarrier.arrive $0xFFFF  }
0x6e: {  	s2 =	simm.s32 $0x0;
	s18 =	rddreg [dreg:$0x15]  }
0x6f: {  	[tilespmem:s2], [sflag:$0x5] =	stream.linear.gather [hbm4b:s18+s2], $0x50, $0x38;
	[tilespmem:$0x1DC80] =	vst v63  }
0x70: {  	_ =	swait.ge [sflag:s14], $0x50  }
0x71: {  	[sflag:s14] =	ssyncset.done $0x0  }
0x72: {  	s21 =	sld [smem:$0x7FB];
	[sflag:s14] =	ssyncadd.s32 $0xFFFFFFB0  }
0x73: {  	[tilespmem:s13], [sflag:$0x1] =	stream.indirect.gather [hbm4b:s15+s16], $0x80, s2, s16, $0xb8;
	[tilespmem:$0x1DC80] =	vst v63  }
0x74: {  	s3 =	simm.s32 $0x80  }
0x75: {  	[tilespmem:s3], [sflag:$0x5] =	stream.linear.gather [hbm4b:s21+s2], $0x50, $0x38;
	[tilespmem:$0x1DC80] =	vst v63  }
0x76: {  	_ =	swait.ge [sflag:s14], $0x50  }
0x77: {  	[sflag:s14] =	ssyncset.done $0x0  }
0x78: {  	s4 =	sld [smem:$0x7FC];
	[sflag:s14] =	ssyncadd.s32 $0xFFFFFFB0  }
0x79: {  	[tilespmem:s20], [sflag:$0x2] =	stream.indirect.gather [hbm4b:s15+s16], $0x80, s3, s16, $0xb8;
	[tilespmem:$0x1DC80] =	vst v63  }
0x7a: {  	s5 =	simm.s32 $0x100  }
0x7b: {  	[tilespmem:s5], [sflag:$0x5] =	stream.linear.gather [hbm4b:s4+s2], $0x50, $0x38;
	[tilespmem:$0x1DC80] =	vst v63  }
0x7c: {  	_ =	swait.ge [sflag:s14], $0x50  }
0x7d: {  	[sflag:s14] =	ssyncset.done $0x0  }
0x7e: {  	s18 =	simm.s32 $0x5400;
	s21 =	sld [smem:$0x7FD];
	[sflag:s14] =	ssyncadd.s32 $0xFFFFFFB0  }
0x7f: {  	[tilespmem:s18], [sflag:$0x3] =	stream.indirect.gather [hbm4b:s15+s16], $0x80, s5, s16, $0xb8;
	[tilespmem:$0x1DC80] =	vst v63  }
0x80: {  	_ = 	snop  }
0x81: {  	[tilespmem:s29], [sflag:$0x5] =	stream.linear.gather [hbm4b:s21+s2], $0x50, $0x38;
	[tilespmem:$0x1DC80] =	vst v63  }
0x82: {  	_ =	swait.ge [sflag:s14], $0x50  }
0x83: {  	[sflag:s14] =	ssyncset.done $0x0  }
0x84: {  	s3 =	sld [smem:$0x7FA];
	[sflag:s14] =	ssyncadd.s32 $0xFFFFFFB0  }
0x85: {  	[tilespmem:s10], [sflag:$0x4] =	stream.indirect.gather [hbm4b:s15+s16], $0x80, s29, s16, $0xb8;
	[tilespmem:$0x1DC80] =	vst v63  }
.LBB2_4:
0x86: {  	s4 =	sadd.s32 s2, s25  }
0x87: {  	[tilespmem:s11], [sflag:$0x5] =	stream.linear.gather [hbm4b:s4+s0], $0x50, $0x38;
	[tilespmem:$0x1DC80] =	vst v63  }
0x88: {  	_ =	swait.ge [sflag:s14], $0x50  }
0x89: {  	[sflag:s14] =	ssyncset.done $0x0  }
0x8a: {  	[sflag:s14] =	ssyncadd.s32 $0xFFFFFFB0  }
0x8b: {  	_ =	swait.ge [sflag:s12], $0x2800  }
0x8c: {  	[sflag:s12] =	ssyncset.done $0x0  }
0x8d: {  	[sflag:s12] =	ssyncadd.s32 $0xFFFFD800  }
0x8e: {  	[spmem:s19] =	stream.indirect.scatter.add.f32 [tilespmem:s13], [sflag:$0x5], $0x80, s11, s16, $0xb8;
	[tilespmem:$0x1DC80] =	vst v63  }
0x8f: {  	_ =	swait.ge [sflag:s14], $0x2800  }
0x90: {  	s5 =	sshrl.u32 s3, $0x3;
	[sflag:s14] =	ssyncset.done $0x0  }
0x91: {  	s4 =	sadd.s32 s6, s5;
	[sflag:s14] =	ssyncadd.s32 $0xFFFFD800  }
0x92: {  	[tilespmem:s0], [sflag:$0x5] =	stream.linear.gather [hbm4b:s4+s0], $0x50, $0x38;
	[tilespmem:$0x1DC80] =	vst v63  }
0x93: {  	_ =	swait.ge [sflag:s14], $0x50  }
0x94: {  	[sflag:s14] =	ssyncset.done $0x0  }
0x95: {  	[sflag:s14] =	ssyncadd.s32 $0xFFFFFFB0  }
0x96: {  	[tilespmem:s13], [sflag:$0x1] =	stream.indirect.gather [hbm4b:s15+s16], $0x80, s0, s16, $0xb8;
	[tilespmem:$0x1DC80] =	vst v63  }
0x97: {  	s18 =	sadd.s32 s2, s24  }
0x98: {  	[tilespmem:s9], [sflag:$0x5] =	stream.linear.gather [hbm4b:s18+s0], $0x50, $0x38;
	[tilespmem:$0x1DC80] =	vst v63  }
0x99: {  	_ =	swait.ge [sflag:s14], $0x50  }
0x9a: {  	[sflag:s14] =	ssyncset.done $0x0  }
0x9b: {  	[sflag:s14] =	ssyncadd.s32 $0xFFFFFFB0  }
0x9c: {  	_ =	swait.ge [sflag:s26], $0x2800  }
0x9d: {  	[sflag:s26] =	ssyncset.done $0x0  }
0x9e: {  	[sflag:s26] =	ssyncadd.s32 $0xFFFFD800  }
0x9f: {  	[spmem:s19] =	stream.indirect.scatter.add.f32 [tilespmem:s20], [sflag:$0x5], $0x80, s9, s16, $0xb8;
	[tilespmem:$0x1DC80] =	vst v63  }
0xa0: {  	p1 =	seq.s32 s2, $0x4B0;
	_ =	swait.ge [sflag:s14], $0x2800  }
0xa1: {  	s1 =	simm.s32 @!p1 $0x80;
	[sflag:s14] =	ssyncset.done $0x0  }
0xa2: {  	s5 =	simm.s32 @!p1 $0x0;
	s4 =	sadd.s32 @!p1 s2, s8;
	[sflag:s14] =	ssyncadd.s32 $0xFFFFD800  }
0xa3: {  	[tilespmem:s1], [sflag:$0x5] =	stream.linear.gather @!p1 [hbm4b:s4+s5], $0x50, $0x38;
	[tilespmem:$0x1DC80] =	vst v63  }
0xa4: {  	s4 =	simm.s32 @!p1 $0x5  }
0xa5: {  	_ =	swait.ge @!p1 [sflag:s4], $0x50  }
0xa6: {  	[sflag:s4] =	ssyncset.done @!p1 $0x0  }
0xa7: {  	s21 =	simm.s32 @!p1 $0x2C00;
	s18 =	simm.s32 @!p1 $0x50;
	[sflag:s4] =	ssyncadd.s32 @!p1 $0xFFFFFFB0  }
0xa8: {  	[tilespmem:s21], [sflag:$0x2] =	stream.indirect.gather @!p1 [hbm4b:s15+s18], $0x80, s1, s18, $0xb8;
	[tilespmem:$0x1DC80] =	vst v63  }
0xa9: {  	s21 =	sadd.s32 s2, s23  }
0xaa: {  	[tilespmem:s28], [sflag:$0x5] =	stream.linear.gather [hbm4b:s21+s0], $0x50, $0x38;
	[tilespmem:$0x1DC80] =	vst v63  }
0xab: {  	_ =	swait.ge [sflag:s14], $0x50  }
0xac: {  	[sflag:s14] =	ssyncset.done $0x0  }
0xad: {  	[sflag:s14] =	ssyncadd.s32 $0xFFFFFFB0  }
0xae: {  	_ =	swait.ge [sflag:s30], $0x2800  }
0xaf: {  	[sflag:s30] =	ssyncset.done $0x0  }
0xb0: {  	s21 =	simm.s32 $0x5400;
	[sflag:s30] =	ssyncadd.s32 $0xFFFFD800  }
0xb1: {  	[spmem:s19] =	stream.indirect.scatter.add.f32 [tilespmem:s21], [sflag:$0x5], $0x80, s28, s16, $0xb8;
	[tilespmem:$0x1DC80] =	vst v63  }
0xb2: {  	_ =	swait.ge [sflag:s14], $0x2800  }
0xb3: {  	[sflag:s14] =	ssyncset.done $0x0  }
0xb4: {  	s1 =	sadd.s32 @!p1 s2, s7;
	s21 =	simm.s32 @!p1 $0x100;
	[sflag:s14] =	ssyncadd.s32 $0xFFFFD800  }
0xb5: {  	[tilespmem:s21], [sflag:$0x5] =	stream.linear.gather @!p1 [hbm4b:s1+s5], $0x50, $0x38;
	[tilespmem:$0x1DC80] =	vst v63  }
0xb6: {  	_ =	swait.ge @!p1 [sflag:s4], $0x50  }
0xb7: {  	[sflag:s4] =	ssyncset.done @!p1 $0x0  }
0xb8: {  	s1 =	simm.s32 @!p1 $0x5400;
	[sflag:s4] =	ssyncadd.s32 @!p1 $0xFFFFFFB0  }
0xb9: {  	[tilespmem:s1], [sflag:$0x3] =	stream.indirect.gather @!p1 [hbm4b:s15+s18], $0x80, s21, s18, $0xb8;
	[tilespmem:$0x1DC80] =	vst v63  }
0xba: {  	s21 =	sadd.s32 s2, s22  }
0xbb: {  	[tilespmem:s31], [sflag:$0x5] =	stream.linear.gather [hbm4b:s21+s0], $0x50, $0x38;
	[tilespmem:$0x1DC80] =	vst v63  }
0xbc: {  	_ =	swait.ge [sflag:s14], $0x50  }
0xbd: {  	[sflag:s14] =	ssyncset.done $0x0  }
0xbe: {  	[sflag:s14] =	ssyncadd.s32 $0xFFFFFFB0  }
0xbf: {  	_ =	swait.ge [sflag:s17], $0x2800  }
0xc0: {  	[sflag:s17] =	ssyncset.done $0x0  }
.Ltmp1:
0xc1: {  	[sflag:s17] =	ssyncadd.s32 $0xFFFFD800;
	(pc) =	sbr.rel @p1 .LBB2_6-.Ltmp1, $4  }
0xc2: {  	[spmem:s19] =	stream.indirect.scatter.add.f32 [tilespmem:s10], [sflag:$0x5], $0x80, s31, s16, $0xb8;
	[tilespmem:$0x1DC80] =	vst v63  }
0xc3: {  	_ =	swait.ge [sflag:s14], $0x2800  }
0xc4: {  	[sflag:s14] =	ssyncset.done $0x0  }
0xc5: {  	[sflag:s14] =	ssyncadd.s32 $0xFFFFD800  }
0xc6: {  	s1 =	sld [smem:$0x7F9];
	_ =	sdelay $0x2  }
0xc7: {  	s1 =	sadd.s32 s2, s1  }
0xc8: {  	[tilespmem:s29], [sflag:$0x5] =	stream.linear.gather [hbm4b:s1+s0], $0x50, $0x38;
	[tilespmem:$0x1DC80] =	vst v63  }
.Ltmp2:
0xc9: {  	_ = 	snop;
	(pc) =	sbr.rel .LBB2_4-.Ltmp2, $4  }
0xca: {  	_ =	swait.ge [sflag:s14], $0x50  }
0xcb: {  	[sflag:s14] =	ssyncset.done $0x0  }
0xcc: {  	s3 =	sadd.s32 $0x140, s3;
	s2 =	sadd.s32 $0x28, s2;
	[sflag:s14] =	ssyncadd.s32 $0xFFFFFFB0  }
0xcd: {  	[tilespmem:s10], [sflag:$0x4] =	stream.indirect.gather [hbm4b:s15+s16], $0x80, s29, s16, $0xb8;
	[tilespmem:$0x1DC80] =	vst v63  }
.LBB2_6:
0xce: {  	s21 =	rddreg [dreg:$0x16]  }
0xcf: {  	[tilespmem:s11], [sflag:$0x5] =	stream.linear.gather [hbm4b:s21+s0], $0x50, $0x38;
	[tilespmem:$0x1DC80] =	vst v63  }
0xd0: {  	_ =	swait.ge [sflag:s14], $0x50  }
0xd1: {  	[sflag:s14] =	ssyncset.done $0x0  }
0xd2: {  	[sflag:s14] =	ssyncadd.s32 $0xFFFFFFB0  }
0xd3: {  	_ =	swait.ge [sflag:s12], $0x2800  }
0xd4: {  	[sflag:s12] =	ssyncset.done $0x0  }
0xd5: {  	[sflag:s12] =	ssyncadd.s32 $0xFFFFD800  }
0xd6: {  	[spmem:s19] =	stream.indirect.scatter.add.f32 [tilespmem:s13], [sflag:$0x5], $0x80, s11, s16, $0xb8;
	[tilespmem:$0x1DC80] =	vst v63  }
0xd7: {  	_ =	swait.ge [sflag:s14], $0x2800  }
0xd8: {  	[sflag:s14] =	ssyncset.done $0x0  }
0xd9: {  	[sflag:s14] =	ssyncadd.s32 $0xFFFFD800  }
0xda: {  	[bflag:$0x0] =	sbarrier.arrive $0xFFFF  }
0xdb: {  	s1 =	stileid.u32;
	s5 =	rddreg [dreg:$0x18]  }
0xdc: {  	s1 =	sshll.u32 s1, $0x6;
	s18 =	rddreg [dreg:$0x5];
	s3 =	sshrl.u32 s5, $0x3  }
0xdd: {  	s2 =	sor.u32 $0x1C05, s1;
	[smem:$0x7F0] =	sst s3  }
0xde: {  	[hbm:s18], [sflag:s2] =	dma.local [spmem:s3], $0x500  }
0xdf: {  	_ =	swait.ge [sflag:s14], $0x500  }
0xe0: {  	s4 =	rddreg [dreg:$0x19]  }
0xe1: {  	[sflag:s14] =	ssyncset.done $0x0;
	s18 =	rddreg [dreg:$0x6];
	s5 =	sshrl.u32 s4, $0x3  }
0xe2: {  	[sflag:s14] =	ssyncadd.s32 $0xFFFFFB00;
	[smem:$0x7F1] =	sst s5  }
0xe3: {  	[hbm:s18], [sflag:s2] =	dma.local [spmem:s5], $0x500  }
0xe4: {  	_ =	swait.ge [sflag:s14], $0x500  }
0xe5: {  	s4 =	rddreg [dreg:$0x1a]  }
0xe6: {  	[sflag:s14] =	ssyncset.done $0x0;
	s18 =	rddreg [dreg:$0x7];
	s5 =	sshrl.u32 s4, $0x3  }
0xe7: {  	[sflag:s14] =	ssyncadd.s32 $0xFFFFFB00;
	[smem:$0x7F2] =	sst s5  }
0xe8: {  	[hbm:s18], [sflag:s2] =	dma.local [spmem:s5], $0x500  }
0xe9: {  	_ =	swait.ge [sflag:s14], $0x500  }
0xea: {  	s4 =	rddreg [dreg:$0x1b]  }
0xeb: {  	[sflag:s14] =	ssyncset.done $0x0;
	s18 =	rddreg [dreg:$0x8];
	s5 =	sshrl.u32 s4, $0x3  }
0xec: {  	[sflag:s14] =	ssyncadd.s32 $0xFFFFFB00;
	[smem:$0x7F3] =	sst s5  }
0xed: {  	[hbm:s18], [sflag:s2] =	dma.local [spmem:s5], $0x500  }
0xee: {  	_ =	swait.ge [sflag:s14], $0x500  }
0xef: {  	s4 =	rddreg [dreg:$0x1c]  }
0xf0: {  	[sflag:s14] =	ssyncset.done $0x0;
	s18 =	rddreg [dreg:$0x9];
	s5 =	sshrl.u32 s4, $0x3  }
0xf1: {  	[sflag:s14] =	ssyncadd.s32 $0xFFFFFB00;
	[smem:$0x7F4] =	sst s5  }
0xf2: {  	[hbm:s18], [sflag:s2] =	dma.local [spmem:s5], $0x500  }
0xf3: {  	_ =	swait.ge [sflag:s14], $0x500  }
0xf4: {  	s4 =	rddreg [dreg:$0x1d]  }
0xf5: {  	[sflag:s14] =	ssyncset.done $0x0;
	s18 =	rddreg [dreg:$0xa];
	s5 =	sshrl.u32 s4, $0x3  }
0xf6: {  	[sflag:s14] =	ssyncadd.s32 $0xFFFFFB00;
	[smem:$0x7F5] =	sst s5  }
0xf7: {  	[hbm:s18], [sflag:s2] =	dma.local [spmem:s5], $0x500  }
0xf8: {  	_ =	swait.ge [sflag:s14], $0x500  }
0xf9: {  	s4 =	rddreg [dreg:$0x1e]  }
0xfa: {  	[sflag:s14] =	ssyncset.done $0x0;
	s18 =	rddreg [dreg:$0xb];
	s5 =	sshrl.u32 s4, $0x3  }
0xfb: {  	[sflag:s14] =	ssyncadd.s32 $0xFFFFFB00;
	[smem:$0x7F6] =	sst s5  }
0xfc: {  	[hbm:s18], [sflag:s2] =	dma.local [spmem:s5], $0x500  }
0xfd: {  	_ =	swait.ge [sflag:s14], $0x500  }
0xfe: {  	s1 =	rddreg [dreg:$0x1f]  }
0xff: {  	[sflag:s14] =	ssyncset.done $0x0;
	s3 =	sshrl.u32 @!p0 s1, $0x3;
	s1 =	rddreg [dreg:$0xc]  }
0x100: {  	[sflag:s14] =	ssyncadd.s32 $0xFFFFFB00;
	[smem:$0x7F7] =	sst s3  }
0x101: {  	[hbm:s1], [sflag:s2] =	dma.local @!p0 [spmem:s3], $0x500  }
0x102: {  	s1 =	simm.s32 @!p0 $0x5  }
0x103: {  	_ =	swait.ge @!p0 [sflag:s1], $0x500  }
0x104: {  	[sflag:s1] =	ssyncset.done @!p0 $0x0  }
0x105: {  	[sflag:s1] =	ssyncadd.s32 @!p0 $0xFFFFFB00  }
0x106: {  	s5 =	simm.s32 $0x200;
	s3 =	simm.s32 $0x0;
	[bflag:$0x0] =	sbarrier.arrive $0xFFFF  }
.LBB2_7:
0x107: {  	p1 =	sne.s32 s5, $0x9E00;
	[tilespmem:s3+$0x2C70] =	vst v1  }
0x108: {  	[tilespmem:s3+$0x400] =	vst v0  }
0x109: {  	[tilespmem:s3+$0x2C00] =	vst v1  }
0x10a: {  	[tilespmem:s3+$0x410] =	vst v0  }
0x10b: {  	[tilespmem:s3+$0x2C10] =	vst v1  }
0x10c: {  	[tilespmem:s3+$0x420] =	vst v0  }
0x10d: {  	[tilespmem:s3+$0x2C20] =	vst v1  }
0x10e: {  	[tilespmem:s3+$0x430] =	vst v0  }
0x10f: {  	[tilespmem:s3+$0x2C30] =	vst v1  }
0x110: {  	[tilespmem:s3+$0x440] =	vst v0  }
0x111: {  	[tilespmem:s3+$0x2C40] =	vst v1  }
.Ltmp3:
0x112: {  	[tilespmem:s3+$0x450] =	vst v0;
	(pc) =	sbr.rel @p1 .LBB2_7-.Ltmp3, $4  }
0x113: {  	[tilespmem:s3+$0x2C50] =	vst v1  }
0x114: {  	[tilespmem:s3+$0x460] =	vst v0  }
0x115: {  	[tilespmem:s3+$0x2C60] =	vst v1  }
0x116: {  	[tilespmem:s3+$0x470] =	vst v0;
	s3 =	sshra.s32 s5, $0x2;
	s5 =	sadd.s32 $0x200, s5  }
0x117: {  	[tilespmem:s3+$0x2C70] =	vst v1  }
0x118: {  	[tilespmem:s3+$0x400] =	vst v0  }
0x119: {  	[tilespmem:s3+$0x2C00] =	vst v1  }
0x11a: {  	[tilespmem:s3+$0x410] =	vst v0  }
0x11b: {  	[tilespmem:s3+$0x2C10] =	vst v1  }
0x11c: {  	[tilespmem:s3+$0x420] =	vst v0  }
0x11d: {  	[tilespmem:s3+$0x2C20] =	vst v1  }
0x11e: {  	[tilespmem:s3+$0x430] =	vst v0  }
0x11f: {  	[tilespmem:s3+$0x2C30] =	vst v1  }
0x120: {  	[tilespmem:s3+$0x440] =	vst v0  }
0x121: {  	[tilespmem:s3+$0x2C40] =	vst v1  }
0x122: {  	[tilespmem:s3+$0x450] =	vst v0  }
0x123: {  	[tilespmem:s3+$0x2C50] =	vst v1  }
0x124: {  	[tilespmem:s3+$0x460] =	vst v0  }
0x125: {  	[tilespmem:s3+$0x2C60] =	vst v1  }
0x126: {  	[tilespmem:s3+$0x470] =	vst v0;
	s1 =	rddreg [dreg:$0x18]  }
0x127: {  	[spmem:s1] =	stream.linear.scatter [tilespmem:s13], [sflag:$0x5], $0x2800, $0x38;
	[tilespmem:$0x1DC80] =	vst v63  }
0x128: {  	_ =	swait.ge [sflag:s14], $0x2800  }
0x129: {  	[sflag:s14] =	ssyncset.done $0x0  }
0x12a: {  	s5 =	rddreg [dreg:$0x19];
	[sflag:s14] =	ssyncadd.s32 $0xFFFFD800  }
0x12b: {  	[spmem:s5] =	stream.linear.scatter [tilespmem:s13], [sflag:$0x5], $0x2800, $0x38;
	[tilespmem:$0x1DC80] =	vst v63  }
0x12c: {  	_ =	swait.ge [sflag:s14], $0x2800  }
0x12d: {  	[sflag:s14] =	ssyncset.done $0x0  }
0x12e: {  	s18 =	rddreg [dreg:$0x1a];
	[sflag:s14] =	ssyncadd.s32 $0xFFFFD800  }
0x12f: {  	[spmem:s18] =	stream.linear.scatter [tilespmem:s13], [sflag:$0x5], $0x2800, $0x38;
	[tilespmem:$0x1DC80] =	vst v63  }
0x130: {  	_ =	swait.ge [sflag:s14], $0x2800  }
0x131: {  	[sflag:s14] =	ssyncset.done $0x0  }
0x132: {  	s3 =	rddreg [dreg:$0x1b];
	[sflag:s14] =	ssyncadd.s32 $0xFFFFD800  }
0x133: {  	[spmem:s3] =	stream.linear.scatter [tilespmem:s13], [sflag:$0x5], $0x2800, $0x38;
	[tilespmem:$0x1DC80] =	vst v63  }
0x134: {  	_ =	swait.ge [sflag:s14], $0x2800  }
0x135: {  	[sflag:s14] =	ssyncset.done $0x0  }
0x136: {  	s4 =	rddreg [dreg:$0x1c];
	[sflag:s14] =	ssyncadd.s32 $0xFFFFD800  }
0x137: {  	[spmem:s4] =	stream.linear.scatter [tilespmem:s13], [sflag:$0x5], $0x2800, $0x38;
	[tilespmem:$0x1DC80] =	vst v63  }
0x138: {  	_ =	swait.ge [sflag:s14], $0x2800  }
0x139: {  	[sflag:s14] =	ssyncset.done $0x0  }
0x13a: {  	s5 =	rddreg [dreg:$0x1d];
	[sflag:s14] =	ssyncadd.s32 $0xFFFFD800  }
0x13b: {  	[spmem:s5] =	stream.linear.scatter [tilespmem:s13], [sflag:$0x5], $0x2800, $0x38;
	[tilespmem:$0x1DC80] =	vst v63  }
0x13c: {  	_ =	swait.ge [sflag:s14], $0x2800  }
0x13d: {  	[sflag:s14] =	ssyncset.done $0x0  }
0x13e: {  	s18 =	rddreg [dreg:$0x1e];
	[sflag:s14] =	ssyncadd.s32 $0xFFFFD800  }
0x13f: {  	[spmem:s18] =	stream.linear.scatter [tilespmem:s13], [sflag:$0x5], $0x2800, $0x38;
	[tilespmem:$0x1DC80] =	vst v63  }
0x140: {  	_ =	swait.ge [sflag:s14], $0x2800  }
0x141: {  	[sflag:s14] =	ssyncset.done $0x0  }
0x142: {  	s1 =	simm.s32 @!p0 $0x400;
	s3 =	rddreg [dreg:$0x1f];
	[sflag:s14] =	ssyncadd.s32 $0xFFFFD800  }
0x143: {  	[spmem:s3] =	stream.linear.scatter @!p0 [tilespmem:s1], [sflag:$0x5], $0x2800, $0x38;
	[tilespmem:$0x1DC80] =	vst v63  }
0x144: {  	s1 =	simm.s32 @!p0 $0x5  }
0x145: {  	_ =	swait.ge @!p0 [sflag:s1], $0x2800  }
0x146: {  	[sflag:s1] =	ssyncset.done @!p0 $0x0  }
0x147: {  	[sflag:s1] =	ssyncadd.s32 @!p0 $0xFFFFD800  }
0x148: {  	s3 =	sadd.s32 $0x0, s25;
	[bflag:$0x0] =	sbarrier.arrive $0xFFFF  }
0x149: {  	[tilespmem:s11], [sflag:$0x5] =	stream.linear.gather [hbm4b:s3+s0], $0x50, $0x38;
	[tilespmem:$0x1DC80] =	vst v63  }
0x14a: {  	_ =	swait.ge [sflag:s14], $0x50  }
0x14b: {  	[sflag:s14] =	ssyncset.done $0x0  }
0x14c: {  	[sflag:s14] =	ssyncadd.s32 $0xFFFFFFB0  }
0x14d: {  	[spmem:s19] =	stream.indirect.scatter.add.f32 [tilespmem:s20], [sflag:$0x1], $0x80, s11, s16, $0xb8;
	[tilespmem:$0x1DC80] =	vst v63  }
0x14e: {  	s4 =	sadd.s32 $0x0, s24  }
0x14f: {  	[tilespmem:s9], [sflag:$0x5] =	stream.linear.gather [hbm4b:s4+s0], $0x50, $0x38;
	[tilespmem:$0x1DC80] =	vst v63  }
0x150: {  	_ =	swait.ge [sflag:s14], $0x50  }
0x151: {  	[sflag:s14] =	ssyncset.done $0x0  }
0x152: {  	[sflag:s14] =	ssyncadd.s32 $0xFFFFFFB0  }
0x153: {  	[spmem:s19] =	stream.indirect.scatter.add.f32 [tilespmem:s20], [sflag:$0x2], $0x80, s9, s16, $0xb8;
	[tilespmem:$0x1DC80] =	vst v63  }
0x154: {  	s5 =	sadd.s32 $0x0, s23  }
0x155: {  	[tilespmem:s28], [sflag:$0x5] =	stream.linear.gather [hbm4b:s5+s0], $0x50, $0x38;
	[tilespmem:$0x1DC80] =	vst v63  }
0x156: {  	_ =	swait.ge [sflag:s14], $0x50  }
0x157: {  	[sflag:s14] =	ssyncset.done $0x0  }
0x158: {  	[sflag:s14] =	ssyncadd.s32 $0xFFFFFFB0  }
0x159: {  	[spmem:s19] =	stream.indirect.scatter.add.f32 [tilespmem:s20], [sflag:$0x3], $0x80, s28, s16, $0xb8;
	[tilespmem:$0x1DC80] =	vst v63  }
0x15a: {  	s18 =	sadd.s32 $0x0, s22  }
0x15b: {  	[tilespmem:s31], [sflag:$0x5] =	stream.linear.gather [hbm4b:s18+s0], $0x50, $0x38;
	[tilespmem:$0x1DC80] =	vst v63  }
0x15c: {  	_ =	swait.ge [sflag:s14], $0x50  }
0x15d: {  	[sflag:s14] =	ssyncset.done $0x0  }
0x15e: {  	[sflag:s14] =	ssyncadd.s32 $0xFFFFFFB0  }
0x15f: {  	[spmem:s19] =	stream.indirect.scatter.add.f32 [tilespmem:s20], [sflag:$0x4], $0x80, s31, s16, $0xb8;
	[tilespmem:$0x1DC80] =	vst v63  }
0x160: {  	_ =	swait.ge [sflag:s12], $0x2800  }
0x161: {  	[sflag:s12] =	ssyncset.done $0x0  }
0x162: {  	[sflag:s12] =	ssyncadd.s32 $0xFFFFD800  }
0x163: {  	_ =	swait.ge [sflag:s26], $0x2800  }
0x164: {  	[sflag:s26] =	ssyncset.done $0x0  }
0x165: {  	[sflag:s26] =	ssyncadd.s32 $0xFFFFD800  }
0x166: {  	_ =	swait.ge [sflag:s30], $0x2800  }
0x167: {  	[sflag:s30] =	ssyncset.done $0x0  }
0x168: {  	[sflag:s30] =	ssyncadd.s32 $0xFFFFD800  }
0x169: {  	_ =	swait.ge [sflag:s17], $0x2800  }
0x16a: {  	s3 =	simm.s32 $0x50;
	s5 =	simm.s32 $0x28;
	[sflag:s17] =	ssyncset.done $0x0  }
.LBB2_9:
0x16b: {  	s1 =	sadd.s32 s5, s25  }
0x16c: {  	[sflag:s17] =	ssyncadd.s32 $0xFFFFD800;
	s18 =	smov.u32 s3;
	s4 =	sadd.s32 $0x28, s3  }
0x16d: {  	[tilespmem:s11], [sflag:$0x5] =	stream.linear.gather [hbm4b:s1+s0], $0x50, $0x38;
	[tilespmem:$0x1DC80] =	vst v63  }
0x16e: {  	p1 =	sne.s32 s3, $0x4B0;
	_ =	swait.ge [sflag:s14], $0x50  }
0x16f: {  	[sflag:s14] =	ssyncset.done $0x0  }
0x170: {  	[sflag:s14] =	ssyncadd.s32 $0xFFFFFFB0  }
0x171: {  	[spmem:s19] =	stream.indirect.scatter.add.f32 [tilespmem:s20], [sflag:$0x1], $0x80, s11, s16, $0xb8;
	[tilespmem:$0x1DC80] =	vst v63  }
0x172: {  	s1 =	sadd.s32 s5, s24  }
0x173: {  	[tilespmem:s9], [sflag:$0x5] =	stream.linear.gather [hbm4b:s1+s0], $0x50, $0x38;
	[tilespmem:$0x1DC80] =	vst v63  }
0x174: {  	_ =	swait.ge [sflag:s14], $0x50  }
0x175: {  	[sflag:s14] =	ssyncset.done $0x0  }
0x176: {  	[sflag:s14] =	ssyncadd.s32 $0xFFFFFFB0  }
0x177: {  	[spmem:s19] =	stream.indirect.scatter.add.f32 [tilespmem:s20], [sflag:$0x2], $0x80, s9, s16, $0xb8;
	[tilespmem:$0x1DC80] =	vst v63  }
0x178: {  	s1 =	sadd.s32 s5, s23  }
0x179: {  	[tilespmem:s28], [sflag:$0x5] =	stream.linear.gather [hbm4b:s1+s0], $0x50, $0x38;
	[tilespmem:$0x1DC80] =	vst v63  }
0x17a: {  	_ =	swait.ge [sflag:s14], $0x50  }
0x17b: {  	[sflag:s14] =	ssyncset.done $0x0  }
0x17c: {  	[sflag:s14] =	ssyncadd.s32 $0xFFFFFFB0  }
0x17d: {  	[spmem:s19] =	stream.indirect.scatter.add.f32 [tilespmem:s20], [sflag:$0x3], $0x80, s28, s16, $0xb8;
	[tilespmem:$0x1DC80] =	vst v63  }
0x17e: {  	s1 =	sadd.s32 s5, s22;
	s5 =	smov.u32 s18  }
0x17f: {  	[tilespmem:s31], [sflag:$0x5] =	stream.linear.gather [hbm4b:s1+s0], $0x50, $0x38;
	[tilespmem:$0x1DC80] =	vst v63  }
0x180: {  	_ =	swait.ge [sflag:s14], $0x50  }
0x181: {  	[sflag:s14] =	ssyncset.done $0x0  }
0x182: {  	[sflag:s14] =	ssyncadd.s32 $0xFFFFFFB0  }
0x183: {  	[spmem:s19] =	stream.indirect.scatter.add.f32 [tilespmem:s20], [sflag:$0x4], $0x80, s31, s16, $0xb8;
	[tilespmem:$0x1DC80] =	vst v63  }
0x184: {  	_ =	swait.ge [sflag:s12], $0x2800  }
0x185: {  	[sflag:s12] =	ssyncset.done $0x0  }
0x186: {  	[sflag:s12] =	ssyncadd.s32 $0xFFFFD800  }
0x187: {  	_ =	swait.ge [sflag:s26], $0x2800  }
0x188: {  	[sflag:s26] =	ssyncset.done $0x0  }
0x189: {  	[sflag:s26] =	ssyncadd.s32 $0xFFFFD800  }
.Ltmp4:
0x18a: {  	_ =	swait.ge [sflag:s30], $0x2800;
	(pc) =	sbr.rel @p1 .LBB2_9-.Ltmp4, $4  }
0x18b: {  	[sflag:s30] =	ssyncset.done $0x0  }
0x18c: {  	[sflag:s30] =	ssyncadd.s32 $0xFFFFD800  }
0x18d: {  	_ =	swait.ge [sflag:s17], $0x2800  }
0x18e: {  	s3 =	smov.u32 s4;
	[sflag:s17] =	ssyncset.done $0x0  }
0x18f: {  	s1 =	sadd.s32 s5, s25;
	[sflag:s17] =	ssyncadd.s32 $0xFFFFD800  }
0x190: {  	[tilespmem:s11], [sflag:$0x5] =	stream.linear.gather [hbm4b:s1+s0], $0x50, $0x38;
	[tilespmem:$0x1DC80] =	vst v63  }
0x191: {  	_ =	swait.ge [sflag:s14], $0x50  }
0x192: {  	[sflag:s14] =	ssyncset.done $0x0  }
0x193: {  	[sflag:s14] =	ssyncadd.s32 $0xFFFFFFB0  }
0x194: {  	[spmem:s19] =	stream.indirect.scatter.add.f32 [tilespmem:s20], [sflag:$0x1], $0x80, s11, s16, $0xb8;
	[tilespmem:$0x1DC80] =	vst v63  }
0x195: {  	s18 =	sadd.s32 s5, s24  }
0x196: {  	[tilespmem:s9], [sflag:$0x5] =	stream.linear.gather [hbm4b:s18+s0], $0x50, $0x38;
	[tilespmem:$0x1DC80] =	vst v63  }
0x197: {  	_ =	swait.ge [sflag:s14], $0x50  }
0x198: {  	[sflag:s14] =	ssyncset.done $0x0  }
0x199: {  	[sflag:s14] =	ssyncadd.s32 $0xFFFFFFB0  }
0x19a: {  	[spmem:s19] =	stream.indirect.scatter.add.f32 [tilespmem:s20], [sflag:$0x2], $0x80, s9, s16, $0xb8;
	[tilespmem:$0x1DC80] =	vst v63  }
0x19b: {  	s3 =	sadd.s32 s5, s23  }
0x19c: {  	[tilespmem:s28], [sflag:$0x5] =	stream.linear.gather [hbm4b:s3+s0], $0x50, $0x38;
	[tilespmem:$0x1DC80] =	vst v63  }
0x19d: {  	_ =	swait.ge [sflag:s14], $0x50  }
0x19e: {  	[sflag:s14] =	ssyncset.done $0x0  }
0x19f: {  	[sflag:s14] =	ssyncadd.s32 $0xFFFFFFB0  }
0x1a0: {  	[spmem:s19] =	stream.indirect.scatter.add.f32 [tilespmem:s20], [sflag:$0x3], $0x80, s28, s16, $0xb8;
	[tilespmem:$0x1DC80] =	vst v63  }
0x1a1: {  	s4 =	sadd.s32 s5, s22  }
0x1a2: {  	[tilespmem:s31], [sflag:$0x5] =	stream.linear.gather [hbm4b:s4+s0], $0x50, $0x38;
	[tilespmem:$0x1DC80] =	vst v63  }
0x1a3: {  	_ =	swait.ge [sflag:s14], $0x50  }
0x1a4: {  	[sflag:s14] =	ssyncset.done $0x0  }
0x1a5: {  	[sflag:s14] =	ssyncadd.s32 $0xFFFFFFB0  }
0x1a6: {  	[spmem:s19] =	stream.indirect.scatter.add.f32 [tilespmem:s20], [sflag:$0x4], $0x80, s31, s16, $0xb8;
	[tilespmem:$0x1DC80] =	vst v63  }
0x1a7: {  	_ =	swait.ge [sflag:s12], $0x2800  }
0x1a8: {  	[sflag:s12] =	ssyncset.done $0x0  }
0x1a9: {  	[sflag:s12] =	ssyncadd.s32 $0xFFFFD800  }
0x1aa: {  	_ =	swait.ge [sflag:s26], $0x2800  }
0x1ab: {  	[sflag:s26] =	ssyncset.done $0x0  }
0x1ac: {  	[sflag:s26] =	ssyncadd.s32 $0xFFFFD800  }
0x1ad: {  	_ =	swait.ge [sflag:s30], $0x2800  }
0x1ae: {  	[sflag:s30] =	ssyncset.done $0x0  }
0x1af: {  	[sflag:s30] =	ssyncadd.s32 $0xFFFFD800  }
0x1b0: {  	_ =	swait.ge [sflag:s17], $0x2800  }
0x1b1: {  	[sflag:s17] =	ssyncset.done $0x0  }
0x1b2: {  	[sflag:s17] =	ssyncadd.s32 $0xFFFFD800  }
0x1b3: {  	[tilespmem:s11], [sflag:$0x5] =	stream.linear.gather [hbm4b:s21+s0], $0x50, $0x38;
	[tilespmem:$0x1DC80] =	vst v63  }
0x1b4: {  	_ =	swait.ge [sflag:s14], $0x50  }
0x1b5: {  	[sflag:s14] =	ssyncset.done $0x0  }
0x1b6: {  	[sflag:s14] =	ssyncadd.s32 $0xFFFFFFB0  }
0x1b7: {  	[spmem:s19] =	stream.indirect.scatter.add.f32 [tilespmem:s20], [sflag:$0x5], $0x80, s11, s16, $0xb8;
	[tilespmem:$0x1DC80] =	vst v63  }
0x1b8: {  	_ =	swait.ge [sflag:s14], $0x2800  }
0x1b9: {  	[sflag:s14] =	ssyncset.done $0x0  }
0x1ba: {  	[sflag:s14] =	ssyncadd.s32 $0xFFFFD800  }
0x1bb: {  	[bflag:$0x0] =	sbarrier.arrive $0xFFFF  }
0x1bc: {  	s3 =	sld [smem:$0x7F0];
	_ =	sdelay $0x1  }
0x1bd: {  	s5 =	rddreg [dreg:$0xd]  }
0x1be: {  	[hbm:s5], [sflag:s2] =	dma.local [spmem:s3], $0x500  }
0x1bf: {  	_ =	swait.ge [sflag:s14], $0x500  }
0x1c0: {  	s21 =	sld [smem:$0x7F1]  }
0x1c1: {  	[sflag:s14] =	ssyncset.done $0x0  }
0x1c2: {  	s18 =	rddreg [dreg:$0xe];
	[sflag:s14] =	ssyncadd.s32 $0xFFFFFB00  }
0x1c3: {  	[hbm:s18], [sflag:s2] =	dma.local [spmem:s21], $0x500  }
0x1c4: {  	_ =	swait.ge [sflag:s14], $0x500  }
0x1c5: {  	s5 =	sld [smem:$0x7F2]  }
0x1c6: {  	[sflag:s14] =	ssyncset.done $0x0  }
0x1c7: {  	s4 =	rddreg [dreg:$0xf];
	[sflag:s14] =	ssyncadd.s32 $0xFFFFFB00  }
0x1c8: {  	[hbm:s4], [sflag:s2] =	dma.local [spmem:s5], $0x500  }
0x1c9: {  	_ =	swait.ge [sflag:s14], $0x500  }
0x1ca: {  	s21 =	sld [smem:$0x7F3]  }
0x1cb: {  	[sflag:s14] =	ssyncset.done $0x0  }
0x1cc: {  	s18 =	rddreg [dreg:$0x10];
	[sflag:s14] =	ssyncadd.s32 $0xFFFFFB00  }
0x1cd: {  	[hbm:s18], [sflag:s2] =	dma.local [spmem:s21], $0x500  }
0x1ce: {  	_ =	swait.ge [sflag:s14], $0x500  }
0x1cf: {  	s5 =	sld [smem:$0x7F4]  }
0x1d0: {  	[sflag:s14] =	ssyncset.done $0x0  }
0x1d1: {  	s4 =	rddreg [dreg:$0x11];
	[sflag:s14] =	ssyncadd.s32 $0xFFFFFB00  }
0x1d2: {  	[hbm:s4], [sflag:s2] =	dma.local [spmem:s5], $0x500  }
0x1d3: {  	_ =	swait.ge [sflag:s14], $0x500  }
0x1d4: {  	s21 =	sld [smem:$0x7F5]  }
0x1d5: {  	[sflag:s14] =	ssyncset.done $0x0  }
0x1d6: {  	s18 =	rddreg [dreg:$0x12];
	[sflag:s14] =	ssyncadd.s32 $0xFFFFFB00  }
0x1d7: {  	[hbm:s18], [sflag:s2] =	dma.local [spmem:s21], $0x500  }
0x1d8: {  	_ =	swait.ge [sflag:s14], $0x500  }
0x1d9: {  	s5 =	sld [smem:$0x7F6]  }
0x1da: {  	[sflag:s14] =	ssyncset.done $0x0  }
0x1db: {  	s4 =	rddreg [dreg:$0x13];
	[sflag:s14] =	ssyncadd.s32 $0xFFFFFB00  }
0x1dc: {  	[hbm:s4], [sflag:s2] =	dma.local [spmem:s5], $0x500  }
0x1dd: {  	_ =	swait.ge [sflag:s14], $0x500  }
0x1de: {  	s3 =	sld [smem:$0x7F7]  }
0x1df: {  	[sflag:s14] =	ssyncset.done $0x0  }
0x1e0: {  	s1 =	rddreg [dreg:$0x14];
	[sflag:s14] =	ssyncadd.s32 $0xFFFFFB00  }
0x1e1: {  	[hbm:s1], [sflag:s2] =	dma.local @!p0 [spmem:s3], $0x500  }
0x1e2: {  	s1 =	simm.s32 @!p0 $0x5  }
0x1e3: {  	_ =	swait.ge @!p0 [sflag:s1], $0x500  }
0x1e4: {  	s18 =	sld [smem:$0x7F8];
	_ =	sdelay $0x2  }
0x1e5: {  	s21 =	rddreg [dreg:$0x17];
	s3 =	sadd.s32 $0x1, s18  }
0x1e6: {  	p1 =	sne.s32 s3, s21  }
.Ltmp5:
0x1e7: {  	_ = 	snop;
	(pc) =	sbr.rel @p1 .LBB2_1-.Ltmp5, $3  }
0x1e8: {  	_ =	sdelay $0x1  }
0x1e9: {  	[sflag:s1] =	ssyncset.done @!p0 $0x0  }
0x1ea: {  	[sflag:s1] =	ssyncadd.s32 @!p0 $0xFFFFFB00  }
0x1eb: {  	_ =	sfence.sel $0x180000  }
0x1ec: {  	[bflag:$0x0] =	sbarrier.arrive $0xFFFF  }
0x1ed: {  	_ =	strace $0x90000047  }
0x1ee: {  	s0 =	stileid.u32;
	[bflag:$0x2] =	sbarrier.arrive $0xFFFF  }
0x1ef: {  	p0 =	sne.s32 s0, $0x0;
	s0 =	rddreg [dreg:$0x4]  }
0x1f0: {  	s0 =	sadd.s32 @!p0 $0x100000, s0  }
0x1f1: {  	[sflag:s0] =	ssyncadd.tile.s32 @!p0 $0x1;
	_ =	shalt  }
.Lfunc_end2:
_tile_overlayer_lowered:
.L_overlay_start_2:
0x1f2: {  	(tag) =	ssettag $0x2  }
0x1f3: {  	s0 =	rddreg [dreg:$0x0];
	s2 =	stileid.u32  }
0x1f4: {  	s1 =	rddreg [dreg:$0x1];
	p0 =	sne.s32 s2, $0x0  }
0x1f5: {  	s3 =	rddreg [dreg:$0x2];
	[bflag:$0x3] =	sbarrier.arrive $0xFFFF;
	s2 =	simm.s32 @!p0 $0x1C05  }
0x1f6: {  	[timem:s3], [sflag:s2] =	dma.local @!p0 [hbm:s0], s1  }
0x1f7: {  	s0 =	simm.s32 @!p0 $0x5  }
0x1f8: {  	_ =	swait.ge @!p0 [sflag:s0], s1  }
0x1f9: {  	s1 =	ssub.s32 @!p0 $0x0, s1;
	[sflag:s0] =	ssyncset.done @!p0 $0x0  }
0x1fa: {  	[sflag:s0] =	ssyncadd.s32 @!p0 s1  }
0x1fb: {  	[bflag:$0x3] =	sbarrier.arrive $0xFFFF  }
0x1fc: {  	_ =	shalt  }

</sc_bundles>
